<compile_context>
chip_gen: v7x
topology: tpu7x:2x2x1
jax: 0.10.2.dev20260603
libtpu: 0.0.44.dev20260713+nightly
codegen_flags: <defaults>
</compile_context>

<pallas_src>
import functools

import jax
import jax.numpy as jnp
from jax import lax
from jax.experimental import pallas as pl
from jax.experimental.pallas import tpu as pltpu
from jax.experimental.pallas import tpu_sc as plsc

NODE_DIM = 128
EDGE_DIM = 16
N_NODES = 10000
N_EDGES = 320000

_BLK = 4000
_NB = N_EDGES // (8 * _BLK)

_HI = jax.lax.Precision.DEFAULT


def _proj_body(x_ref, wa_ref, wb_ref, ei_ref, p_ref, q_ref, s_ref, d_ref):
    x = x_ref[...]
    p_ref[...] = jnp.dot(x, wa_ref[...], precision=_HI,
                         preferred_element_type=jnp.float32)
    q_ref[...] = jnp.dot(x, wb_ref[...], precision=_HI,
                         preferred_element_type=jnp.float32)
    ei = ei_ref[...]
    s_ref[...] = ei[0]
    d_ref[...] = ei[1]


def _project(node_feats, W1a, W1b, edge_index):
    return pl.pallas_call(
        _proj_body,
        out_shape=[
            jax.ShapeDtypeStruct((N_NODES, EDGE_DIM), jnp.float32),
            jax.ShapeDtypeStruct((N_NODES, EDGE_DIM), jnp.float32),
            jax.ShapeDtypeStruct((N_EDGES,), jnp.int32),
            jax.ShapeDtypeStruct((N_EDGES,), jnp.int32),
        ],
    )(node_feats, W1a, W1b, edge_index)


def _sc_gather(P, Q, src, dst):
    info = plsc.get_sparse_core_info()
    NC, NS = info.num_cores, info.num_subcores
    NW = NC * NS
    CH = 1000
    NCH = N_EDGES // (NW * CH)
    PER_STRIPE = _BLK // CH

    mesh = plsc.VectorSubcoreMesh(core_axis_name="c", subcore_axis_name="s")

    @functools.partial(
        pl.kernel,
        mesh=mesh,
        out_type=jax.ShapeDtypeStruct((_NB, _BLK, 8, EDGE_DIM),
                                      jnp.float32),
        scratch_types=[
            pltpu.VMEM((CH,), jnp.int32),
            pltpu.VMEM((CH,), jnp.int32),
            pltpu.VMEM((CH,), jnp.int32),
            pltpu.VMEM((CH,), jnp.int32),
            pltpu.VMEM((CH, EDGE_DIM), jnp.float32),
            pltpu.VMEM((CH, EDGE_DIM), jnp.float32),
            pltpu.SemaphoreType.DMA,
            pltpu.SemaphoreType.DMA,
            pltpu.SemaphoreType.DMA,
            pltpu.SemaphoreType.DMA,
            pltpu.SemaphoreType.DMA,
            pltpu.SemaphoreType.DMA,
        ],
        compiler_params=pltpu.CompilerParams(use_tc_tiling_on_sc=False),
    )
    def body(p_hbm, q_hbm, src_hbm, dst_hbm, s_hbm,
             sva, dva, svb, dvb, ra, rb,
             spa, sqa, spb, sqb, swa, swb):
        wid = lax.axis_index("s") * NC + lax.axis_index("c")
        first = wid * NCH

        def coords(c):
            i = c // (8 * PER_STRIPE)
            rem = c - i * (8 * PER_STRIPE)
            g = rem // PER_STRIPE
            r0 = (rem - g * PER_STRIPE) * CH
            return i, g, r0

        def e_base(c):
            i, g, r0 = coords(c)
            return pl.multiple_of(i * (8 * _BLK) + g * _BLK + r0, 8)

        def idx_load(c, sv, dv, si):
            e0 = e_base(c)
            pltpu.async_copy(src_hbm.at[pl.ds(e0, CH)], sv, si)
            pltpu.async_copy(dst_hbm.at[pl.ds(e0, CH)], dv, si)

        def drain_idx(sv, dv, si):
            pltpu.make_async_copy(src_hbm.at[pl.ds(0, CH)], sv,
                                  si).wait()
            pltpu.make_async_copy(dst_hbm.at[pl.ds(0, CH)], dv,
                                  si).wait()

        def drain_p(r, sp):
            pltpu.make_async_copy(p_hbm.at[pl.ds(0, CH)], r, sp).wait()

        def drain_qadd(r, sq):
            pltpu.make_async_copy(q_hbm.at[pl.ds(0, CH)], r, sq).wait()

        def start_wb(c, r, sw):
            i, g, r0 = coords(c)
            pltpu.async_copy(r, s_hbm.at[i, pl.ds(r0, CH), g], sw)

        def drain_wb(c, r, sw):
            i, g, r0 = coords(c)
            pltpu.make_async_copy(
                r, s_hbm.at[i, pl.ds(r0, CH), g], sw).wait()

        idx_load(first, sva, dva, spa)
        idx_load(first + 1, svb, dvb, spb)
        drain_idx(sva, dva, spa)
        drain_idx(svb, dvb, spb)

        def pair(p, carry):
            ca = first + 2 * p
            cb = ca + 1

            @pl.when(p > 0)
            def _():
                drain_wb(ca - 2, ra, swa)
                drain_wb(cb - 2, rb, swb)
            pltpu.async_copy(p_hbm.at[sva], ra, spa)
            pltpu.async_copy(p_hbm.at[svb], rb, spb)
            drain_p(ra, spa)
            pltpu.async_copy(q_hbm.at[dva], ra, sqa, add=True)
            drain_p(rb, spb)
            pltpu.async_copy(q_hbm.at[dvb], rb, sqb, add=True)
            drain_qadd(ra, sqa)
            start_wb(ca, ra, swa)
            drain_qadd(rb, sqb)
            start_wb(cb, rb, swb)

            @pl.when(p < NCH // 2 - 1)
            def _():
                idx_load(ca + 2, sva, dva, spa)
                idx_load(cb + 2, svb, dvb, spb)
                drain_idx(sva, dva, spa)
                drain_idx(svb, dvb, spb)
            return carry

        lax.fori_loop(0, NCH // 2, pair, 0)
        last = first + NCH - 1
        drain_wb(last - 1, ra, swa)
        drain_wb(last, rb, swb)

    return body(P, Q, src, dst)


def _edge_body(s_ref, et_ref, w1e_ref, b1_ref, w2_ref, b2_ref,
               ot_ref):
    st = s_ref[...].T
    s_t = jnp.concatenate(
        [st[EDGE_DIM * g:EDGE_DIM * (g + 1), :] for g in range(8)],
        axis=1)
    eterm = lax.dot_general(w1e_ref[...], et_ref[...],
                            (((0,), (0,)), ((), ())), precision=_HI,
                            preferred_element_type=jnp.float32)
    h = s_t + eterm + b1_ref[...][:, 0:1]
    h = jnp.where(h >= 0, h, 0.2 * h)
    ot = lax.dot_general(w2_ref[...], h,
                         (((0,), (0,)), ((), ())), precision=_HI,
                         preferred_element_type=jnp.float32)
    ot_ref[...] = ot + b2_ref[...][:, 0:1]


def _edge_mlp(sv, et, w1e, b1_col, w2, b2_col):
    rows = N_EDGES * EDGE_DIM // 128
    grid = rows // _BLK
    full = lambda i: (0, 0)
    blk = lambda i: (i, 0)
    lane_blk = lambda i: (0, i)
    return pl.pallas_call(
        _edge_body,
        grid=(grid,),
        in_specs=[
            pl.BlockSpec((_BLK, 128), blk),
            pl.BlockSpec((EDGE_DIM, _BLK * 8), lane_blk),
            pl.BlockSpec((EDGE_DIM, EDGE_DIM), full),
            pl.BlockSpec((EDGE_DIM, 128), full),
            pl.BlockSpec((EDGE_DIM, EDGE_DIM), full),
            pl.BlockSpec((EDGE_DIM, 128), full),
        ],
        out_specs=pl.BlockSpec((EDGE_DIM, _BLK * 8), lane_blk),
        out_shape=jax.ShapeDtypeStruct((EDGE_DIM, N_EDGES), jnp.float32),
    )(sv, et, w1e, b1_col, w2, b2_col)


def kernel(node_feats, edge_index, edge_feats, W1, b1, W2, b2):
    W1a = W1[:NODE_DIM]
    W1b = W1[NODE_DIM:2 * NODE_DIM]
    W1e = W1[2 * NODE_DIM:]

    P, Q, src, dst = _project(node_feats, W1a, W1b,
                              edge_index.astype(jnp.int32))
    S = _sc_gather(P, Q, src, dst)

    b1_col = jnp.tile(b1[:, None], (1, 128))
    b2_col = jnp.tile(b2[:, None], (1, 128))

    rows = N_EDGES * EDGE_DIM // 128
    out_t = _edge_mlp(
        S.reshape(rows, 128),
        edge_feats.T,
        W1e, b1_col, W2, b2_col,
    )
    return out_t.T

# --- scband reference (transcript-rebuilt; emitter-appended) ---
"""Pipeline reference for scband-edge-update-layer-14370960572898 (READ-ONLY COPY).

The authoritative reference and input builder live on the scoring server;
editing this copy changes nothing except your own understanding.
"""

import jax, jax.numpy as jnp
import numpy as np

NODE_DIM = 128
EDGE_DIM = 16
N_NODES = 10000
N_EDGES = 320000


def setup_inputs(seed: int = 0) -> dict:
    key = jax.random.key(seed)
    k1, k2, k3, k4, k5, k6, k7 = jax.random.split(key, 7)
    node_feats = jax.random.normal(k1, (N_NODES, NODE_DIM), dtype=jnp.float32)
    edge_index = jax.random.randint(k2, (2, N_EDGES), 0, N_NODES, dtype=jnp.int64)
    edge_feats = jax.random.normal(k3, (N_EDGES, EDGE_DIM), dtype=jnp.float32)
    in_dim = 2 * NODE_DIM + EDGE_DIM
    lim1 = 1.0 / np.sqrt(in_dim)
    W1 = jax.random.uniform(k4, (in_dim, EDGE_DIM), minval=-lim1, maxval=lim1, dtype=jnp.float32)
    b1 = jax.random.uniform(k5, (EDGE_DIM,), minval=-lim1, maxval=lim1, dtype=jnp.float32)
    lim2 = 1.0 / np.sqrt(EDGE_DIM)
    W2 = jax.random.uniform(k6, (EDGE_DIM, EDGE_DIM), minval=-lim2, maxval=lim2, dtype=jnp.float32)
    b2 = jax.random.uniform(k7, (EDGE_DIM,), minval=-lim2, maxval=lim2, dtype=jnp.float32)
    return {"node_feats": node_feats, "edge_index": edge_index, "edge_feats": edge_feats,
            "W1": W1, "b1": b1, "W2": W2, "b2": b2}


def reference(node_feats, edge_index, edge_feats, W1, b1, W2, b2):
    src = edge_index[0]
    dst = edge_index[1]
    h_i = jnp.take(node_feats, src, axis=0)
    h_j = jnp.take(node_feats, dst, axis=0)
    inp = jnp.concatenate([h_i, h_j, edge_feats], axis=1)
    h = inp @ W1 + b1
    h = jnp.where(h >= 0, h, 0.2 * h)  # LeakyReLU(0.2)
    new_edge_feats = h @ W2 + b2
    return new_edge_feats

if __name__ == "__main__":
    import jax
    _d = setup_inputs()
    print(jax.jit(kernel)(*tuple(_d.values())))

</pallas_src>

<mosaic_0001>
#map = affine_map<(d0, d1) -> (0, 0)>
#map1 = affine_map<(d0, d1) -> (0)>
#map2 = affine_map<(d0, d1) -> (0, 0, 0, 0)>
module attributes {stable_mosaic.version = 14 : i64} {
  func.func @body(%arg0: i32, %arg1: i32, %arg2: memref<10000x16xf32, #tpu.memory_space<hbm>>, %arg3: memref<10000x16xf32, #tpu.memory_space<hbm>>, %arg4: memref<320000xi32, #tpu.memory_space<hbm>>, %arg5: memref<320000xi32, #tpu.memory_space<hbm>>, %arg6: memref<10x4000x8x16xf32, #tpu.memory_space<hbm>>, %arg7: memref<1000xi32, #tpu.memory_space<vmem>>, %arg8: memref<1000xi32, #tpu.memory_space<vmem>>, %arg9: memref<1000xi32, #tpu.memory_space<vmem>>, %arg10: memref<1000xi32, #tpu.memory_space<vmem>>, %arg11: memref<1000x16xf32, #tpu.memory_space<vmem>>, %arg12: memref<1000x16xf32, #tpu.memory_space<vmem>>, %arg13: memref<!tpu.dma_semaphore, #tpu.memory_space<semaphore_mem>>, %arg14: memref<!tpu.dma_semaphore, #tpu.memory_space<semaphore_mem>>, %arg15: memref<!tpu.dma_semaphore, #tpu.memory_space<semaphore_mem>>, %arg16: memref<!tpu.dma_semaphore, #tpu.memory_space<semaphore_mem>>, %arg17: memref<!tpu.dma_semaphore, #tpu.memory_space<semaphore_mem>>, %arg18: memref<!tpu.dma_semaphore, #tpu.memory_space<semaphore_mem>>) attributes {dimension_semantics = [#tpu.dimension_semantics<core_parallel>, #tpu.dimension_semantics<subcore_parallel>], iteration_bounds = array<i64: 2, 16>, scalar_prefetch = 0 : i64, scratch_operands = 12 : i64, tpu.core_type = #tpu.core_type<sc_vector_subcore>, window_params = [{transform_indices = #map}, {transform_indices = #map}, {transform_indices = #map1}, {transform_indices = #map1}, {transform_indices = #map2}]} {
    %mul3A = arith.constant 2 : i32
    %mul3A_0 = arith.muli %arg1, %mul3A : i32
    %add3A = arith.addi %mul3A_0, %arg0 : i32
    %mul3A_1 = arith.constant 10 : i32
    %mul3A_2 = arith.muli %add3A, %mul3A_1 : i32
    %jit3A = arith.constant 32 : i32
    %div3A = arith.divsi %mul3A_2, %jit3A : i32
    %sign3A = arith.constant 0 : i32
    %sign3A_3 = arith.cmpi sgt, %mul3A_2, %sign3A : i32
    %sign3A_4 = arith.extui %sign3A_3 : i1 to i32
    %sign3A_5 = arith.constant 0 : i32
    %sign3A_6 = arith.cmpi slt, %mul3A_2, %sign3A_5 : i32
    %sign3A_7 = arith.extui %sign3A_6 : i1 to i32
    %sign3A_8 = arith.subi %sign3A_4, %sign3A_7 : i32
    %sign3A_9 = arith.constant 0 : i32
    %sign3A_10 = arith.cmpi sgt, %jit3A, %sign3A_9 : i32
    %sign3A_11 = arith.extui %sign3A_10 : i1 to i32
    %sign3A_12 = arith.constant 0 : i32
    %sign3A_13 = arith.cmpi slt, %jit3A, %sign3A_12 : i32
    %sign3A_14 = arith.extui %sign3A_13 : i1 to i32
    %sign3A_15 = arith.subi %sign3A_11, %sign3A_14 : i32
    %ne3A = arith.cmpi ne, %sign3A_8, %sign3A_15 : i32
    %rem3A = arith.remsi %mul3A_2, %jit3A : i32
    %ne3A_16 = arith.constant 0 : i32
    %ne3A_17 = arith.cmpi ne, %rem3A, %ne3A_16 : i32
    %and3A = arith.andi %ne3A, %ne3A_17 : i1
    %sub3A = arith.constant 1 : i32
    %sub3A_18 = arith.subi %div3A, %sub3A : i32
    %select_n3A = arith.select %and3A, %sub3A_18, %div3A : i32
    %mul3A_19 = arith.constant 32 : i32
    %mul3A_20 = arith.muli %select_n3A, %mul3A_19 : i32
    %sub3A_21 = arith.subi %mul3A_2, %mul3A_20 : i32
    %jit3A_22 = arith.constant 4 : i32
    %div3A_23 = arith.divsi %sub3A_21, %jit3A_22 : i32
    %sign3A_24 = arith.constant 0 : i32
    %sign3A_25 = arith.cmpi sgt, %sub3A_21, %sign3A_24 : i32
    %sign3A_26 = arith.extui %sign3A_25 : i1 to i32
    %sign3A_27 = arith.constant 0 : i32
    %sign3A_28 = arith.cmpi slt, %sub3A_21, %sign3A_27 : i32
    %sign3A_29 = arith.extui %sign3A_28 : i1 to i32
    %sign3A_30 = arith.subi %sign3A_26, %sign3A_29 : i32
    %sign3A_31 = arith.constant 0 : i32
    %sign3A_32 = arith.cmpi sgt, %jit3A_22, %sign3A_31 : i32
    %sign3A_33 = arith.extui %sign3A_32 : i1 to i32
    %sign3A_34 = arith.constant 0 : i32
    %sign3A_35 = arith.cmpi slt, %jit3A_22, %sign3A_34 : i32
    %sign3A_36 = arith.extui %sign3A_35 : i1 to i32
    %sign3A_37 = arith.subi %sign3A_33, %sign3A_36 : i32
    %ne3A_38 = arith.cmpi ne, %sign3A_30, %sign3A_37 : i32
    %rem3A_39 = arith.remsi %sub3A_21, %jit3A_22 : i32
    %ne3A_40 = arith.constant 0 : i32
    %ne3A_41 = arith.cmpi ne, %rem3A_39, %ne3A_40 : i32
    %and3A_42 = arith.andi %ne3A_38, %ne3A_41 : i1
    %sub3A_43 = arith.constant 1 : i32
    %sub3A_44 = arith.subi %div3A_23, %sub3A_43 : i32
    %select_n3A_45 = arith.select %and3A_42, %sub3A_44, %div3A_23 : i32
    %mul3A_46 = arith.constant 4 : i32
    %mul3A_47 = arith.muli %select_n3A_45, %mul3A_46 : i32
    %sub3A_48 = arith.subi %sub3A_21, %mul3A_47 : i32
    %mul3A_49 = arith.constant 1000 : i32
    %mul3A_50 = arith.muli %sub3A_48, %mul3A_49 : i32
    %mul3A_51 = arith.constant 32000 : i32
    %mul3A_52 = arith.muli %select_n3A, %mul3A_51 : i32
    %mul3A_53 = arith.constant 4000 : i32
    %mul3A_54 = arith.muli %select_n3A_45, %mul3A_53 : i32
    %add3A_55 = arith.addi %mul3A_52, %mul3A_54 : i32
    %add3A_56 = arith.addi %add3A_55, %mul3A_50 : i32
    %multiple_of3A = tpu.assume_multiple %add3A_56, 8 : i32
    %dma_start3A = tpu.memref_slice %arg4[%multiple_of3A] : memref<320000xi32, #tpu.memory_space<hbm>> -> memref<1000xi32, #tpu.memory_space<hbm>>
    %dma_start3A_57 = tpu.memref_slice %arg4[%multiple_of3A] : memref<320000xi32, #tpu.memory_space<hbm>> -> memref<1000xi32, #tpu.memory_space<hbm>>
    tpu.enqueue_dma source(%dma_start3A_57 : memref<1000xi32, #tpu.memory_space<hbm>>) target(%arg7 : memref<1000xi32, #tpu.memory_space<vmem>>) target_semaphore(%arg13 : memref<!tpu.dma_semaphore, #tpu.memory_space<semaphore_mem>>)
    %dma_start3A_58 = tpu.memref_slice %arg5[%multiple_of3A] : memref<320000xi32, #tpu.memory_space<hbm>> -> memref<1000xi32, #tpu.memory_space<hbm>>
    %dma_start3A_59 = tpu.memref_slice %arg5[%multiple_of3A] : memref<320000xi32, #tpu.memory_space<hbm>> -> memref<1000xi32, #tpu.memory_space<hbm>>
    tpu.enqueue_dma source(%dma_start3A_59 : memref<1000xi32, #tpu.memory_space<hbm>>) target(%arg8 : memref<1000xi32, #tpu.memory_space<vmem>>) target_semaphore(%arg13 : memref<!tpu.dma_semaphore, #tpu.memory_space<semaphore_mem>>)
    %add3A_60 = arith.constant 1 : i32
    %add3A_61 = arith.addi %mul3A_2, %add3A_60 : i32
    %jit3A_62 = arith.constant 32 : i32
    %div3A_63 = arith.divsi %add3A_61, %jit3A_62 : i32
    %sign3A_64 = arith.constant 0 : i32
    %sign3A_65 = arith.cmpi sgt, %add3A_61, %sign3A_64 : i32
    %sign3A_66 = arith.extui %sign3A_65 : i1 to i32
    %sign3A_67 = arith.constant 0 : i32
    %sign3A_68 = arith.cmpi slt, %add3A_61, %sign3A_67 : i32
    %sign3A_69 = arith.extui %sign3A_68 : i1 to i32
    %sign3A_70 = arith.subi %sign3A_66, %sign3A_69 : i32
    %sign3A_71 = arith.constant 0 : i32
    %sign3A_72 = arith.cmpi sgt, %jit3A_62, %sign3A_71 : i32
    %sign3A_73 = arith.extui %sign3A_72 : i1 to i32
    %sign3A_74 = arith.constant 0 : i32
    %sign3A_75 = arith.cmpi slt, %jit3A_62, %sign3A_74 : i32
    %sign3A_76 = arith.extui %sign3A_75 : i1 to i32
    %sign3A_77 = arith.subi %sign3A_73, %sign3A_76 : i32
    %ne3A_78 = arith.cmpi ne, %sign3A_70, %sign3A_77 : i32
    %rem3A_79 = arith.remsi %add3A_61, %jit3A_62 : i32
    %ne3A_80 = arith.constant 0 : i32
    %ne3A_81 = arith.cmpi ne, %rem3A_79, %ne3A_80 : i32
    %and3A_82 = arith.andi %ne3A_78, %ne3A_81 : i1
    %sub3A_83 = arith.constant 1 : i32
    %sub3A_84 = arith.subi %div3A_63, %sub3A_83 : i32
    %select_n3A_85 = arith.select %and3A_82, %sub3A_84, %div3A_63 : i32
    %mul3A_86 = arith.constant 32 : i32
    %mul3A_87 = arith.muli %select_n3A_85, %mul3A_86 : i32
    %sub3A_88 = arith.subi %add3A_61, %mul3A_87 : i32
    %jit3A_89 = arith.constant 4 : i32
    %div3A_90 = arith.divsi %sub3A_88, %jit3A_89 : i32
    %sign3A_91 = arith.constant 0 : i32
    %sign3A_92 = arith.cmpi sgt, %sub3A_88, %sign3A_91 : i32
    %sign3A_93 = arith.extui %sign3A_92 : i1 to i32
    %sign3A_94 = arith.constant 0 : i32
    %sign3A_95 = arith.cmpi slt, %sub3A_88, %sign3A_94 : i32
    %sign3A_96 = arith.extui %sign3A_95 : i1 to i32
    %sign3A_97 = arith.subi %sign3A_93, %sign3A_96 : i32
    %sign3A_98 = arith.constant 0 : i32
    %sign3A_99 = arith.cmpi sgt, %jit3A_89, %sign3A_98 : i32
    %sign3A_100 = arith.extui %sign3A_99 : i1 to i32
    %sign3A_101 = arith.constant 0 : i32
    %sign3A_102 = arith.cmpi slt, %jit3A_89, %sign3A_101 : i32
    %sign3A_103 = arith.extui %sign3A_102 : i1 to i32
    %sign3A_104 = arith.subi %sign3A_100, %sign3A_103 : i32
    %ne3A_105 = arith.cmpi ne, %sign3A_97, %sign3A_104 : i32
    %rem3A_106 = arith.remsi %sub3A_88, %jit3A_89 : i32
    %ne3A_107 = arith.constant 0 : i32
    %ne3A_108 = arith.cmpi ne, %rem3A_106, %ne3A_107 : i32
    %and3A_109 = arith.andi %ne3A_105, %ne3A_108 : i1
    %sub3A_110 = arith.constant 1 : i32
    %sub3A_111 = arith.subi %div3A_90, %sub3A_110 : i32
    %select_n3A_112 = arith.select %and3A_109, %sub3A_111, %div3A_90 : i32
    %mul3A_113 = arith.constant 4 : i32
    %mul3A_114 = arith.muli %select_n3A_112, %mul3A_113 : i32
    %sub3A_115 = arith.subi %sub3A_88, %mul3A_114 : i32
    %mul3A_116 = arith.constant 1000 : i32
    %mul3A_117 = arith.muli %sub3A_115, %mul3A_116 : i32
    %mul3A_118 = arith.constant 32000 : i32
    %mul3A_119 = arith.muli %select_n3A_85, %mul3A_118 : i32
    %mul3A_120 = arith.constant 4000 : i32
    %mul3A_121 = arith.muli %select_n3A_112, %mul3A_120 : i32
    %add3A_122 = arith.addi %mul3A_119, %mul3A_121 : i32
    %add3A_123 = arith.addi %add3A_122, %mul3A_117 : i32
    %multiple_of3A_124 = tpu.assume_multiple %add3A_123, 8 : i32
    %dma_start3A_125 = tpu.memref_slice %arg4[%multiple_of3A_124] : memref<320000xi32, #tpu.memory_space<hbm>> -> memref<1000xi32, #tpu.memory_space<hbm>>
    %dma_start3A_126 = tpu.memref_slice %arg4[%multiple_of3A_124] : memref<320000xi32, #tpu.memory_space<hbm>> -> memref<1000xi32, #tpu.memory_space<hbm>>
    tpu.enqueue_dma source(%dma_start3A_126 : memref<1000xi32, #tpu.memory_space<hbm>>) target(%arg9 : memref<1000xi32, #tpu.memory_space<vmem>>) target_semaphore(%arg15 : memref<!tpu.dma_semaphore, #tpu.memory_space<semaphore_mem>>)
    %dma_start3A_127 = tpu.memref_slice %arg5[%multiple_of3A_124] : memref<320000xi32, #tpu.memory_space<hbm>> -> memref<1000xi32, #tpu.memory_space<hbm>>
    %dma_start3A_128 = tpu.memref_slice %arg5[%multiple_of3A_124] : memref<320000xi32, #tpu.memory_space<hbm>> -> memref<1000xi32, #tpu.memory_space<hbm>>
    tpu.enqueue_dma source(%dma_start3A_128 : memref<1000xi32, #tpu.memory_space<hbm>>) target(%arg10 : memref<1000xi32, #tpu.memory_space<vmem>>) target_semaphore(%arg15 : memref<!tpu.dma_semaphore, #tpu.memory_space<semaphore_mem>>)
    %dma_wait3A = arith.constant 0 : i32
    %dma_wait3A_129 = tpu.memref_slice %arg4[%dma_wait3A] : memref<320000xi32, #tpu.memory_space<hbm>> -> memref<1000xi32, #tpu.memory_space<hbm>>
    %dma_wait3A_130 = arith.constant 0 : i32
    %dma_wait3A_131 = tpu.memref_slice %arg4[%dma_wait3A_130] : memref<320000xi32, #tpu.memory_space<hbm>> -> memref<1000xi32, #tpu.memory_space<hbm>>
    tpu.wait_dma2 semaphore(%arg13 : memref<!tpu.dma_semaphore, #tpu.memory_space<semaphore_mem>>) src(%dma_wait3A_131 : memref<1000xi32, #tpu.memory_space<hbm>>) dst(%arg7 : memref<1000xi32, #tpu.memory_space<vmem>>)
    %dma_wait3A_132 = arith.constant 0 : i32
    %dma_wait3A_133 = tpu.memref_slice %arg5[%dma_wait3A_132] : memref<320000xi32, #tpu.memory_space<hbm>> -> memref<1000xi32, #tpu.memory_space<hbm>>
    %dma_wait3A_134 = arith.constant 0 : i32
    %dma_wait3A_135 = tpu.memref_slice %arg5[%dma_wait3A_134] : memref<320000xi32, #tpu.memory_space<hbm>> -> memref<1000xi32, #tpu.memory_space<hbm>>
    tpu.wait_dma2 semaphore(%arg13 : memref<!tpu.dma_semaphore, #tpu.memory_space<semaphore_mem>>) src(%dma_wait3A_135 : memref<1000xi32, #tpu.memory_space<hbm>>) dst(%arg8 : memref<1000xi32, #tpu.memory_space<vmem>>)
    %dma_wait3A_136 = arith.constant 0 : i32
    %dma_wait3A_137 = tpu.memref_slice %arg4[%dma_wait3A_136] : memref<320000xi32, #tpu.memory_space<hbm>> -> memref<1000xi32, #tpu.memory_space<hbm>>
    %dma_wait3A_138 = arith.constant 0 : i32
    %dma_wait3A_139 = tpu.memref_slice %arg4[%dma_wait3A_138] : memref<320000xi32, #tpu.memory_space<hbm>> -> memref<1000xi32, #tpu.memory_space<hbm>>
    tpu.wait_dma2 semaphore(%arg15 : memref<!tpu.dma_semaphore, #tpu.memory_space<semaphore_mem>>) src(%dma_wait3A_139 : memref<1000xi32, #tpu.memory_space<hbm>>) dst(%arg9 : memref<1000xi32, #tpu.memory_space<vmem>>)
    %dma_wait3A_140 = arith.constant 0 : i32
    %dma_wait3A_141 = tpu.memref_slice %arg5[%dma_wait3A_140] : memref<320000xi32, #tpu.memory_space<hbm>> -> memref<1000xi32, #tpu.memory_space<hbm>>
    %dma_wait3A_142 = arith.constant 0 : i32
    %dma_wait3A_143 = tpu.memref_slice %arg5[%dma_wait3A_142] : memref<320000xi32, #tpu.memory_space<hbm>> -> memref<1000xi32, #tpu.memory_space<hbm>>
    tpu.wait_dma2 semaphore(%arg15 : memref<!tpu.dma_semaphore, #tpu.memory_space<semaphore_mem>>) src(%dma_wait3A_143 : memref<1000xi32, #tpu.memory_space<hbm>>) dst(%arg10 : memref<1000xi32, #tpu.memory_space<vmem>>)
    %scan3A = arith.constant 0 : i32
    %scan3A_144 = arith.constant 0 : i32
    %scan3A_145 = arith.constant 5 : i32
    %scan3A_146 = arith.addi %scan3A_144, %scan3A_145 : i32
    %scan3A_147 = arith.constant 1 : i32
    scf.for %scan3A_279 = %scan3A_144 to %scan3A_146 step %scan3A_147  : i32 {
      %mul3A_280 = arith.constant 2 : i32
      %mul3A_281 = arith.muli %mul3A_280, %scan3A_279 : i32
      %add3A_282 = arith.addi %mul3A_2, %mul3A_281 : i32
      %add3A_283 = arith.constant 1 : i32
      %add3A_284 = arith.addi %add3A_282, %add3A_283 : i32
      %gt3A = arith.constant 0 : i32
      %gt3A_285 = arith.cmpi sgt, %scan3A_279, %gt3A : i32
      %convert_element_type3A = arith.extui %gt3A_285 : i1 to i32
      %cond3A = arith.constant 0 : i32
      %cond3A_286 = arith.cmpi ne, %convert_element_type3A, %cond3A : i32
      scf.if %cond3A_286 {
        %sub3A_451 = arith.constant 2 : i32
        %sub3A_452 = arith.subi %add3A_282, %sub3A_451 : i32
        %jit3A_453 = arith.constant 32 : i32
        %div3A_454 = arith.divsi %sub3A_452, %jit3A_453 : i32
        %sign3A_455 = arith.constant 0 : i32
        %sign3A_456 = arith.cmpi sgt, %sub3A_452, %sign3A_455 : i32
        %sign3A_457 = arith.extui %sign3A_456 : i1 to i32
        %sign3A_458 = arith.constant 0 : i32
        %sign3A_459 = arith.cmpi slt, %sub3A_452, %sign3A_458 : i32
        %sign3A_460 = arith.extui %sign3A_459 : i1 to i32
        %sign3A_461 = arith.subi %sign3A_457, %sign3A_460 : i32
        %sign3A_462 = arith.constant 0 : i32
        %sign3A_463 = arith.cmpi sgt, %jit3A_453, %sign3A_462 : i32
        %sign3A_464 = arith.extui %sign3A_463 : i1 to i32
        %sign3A_465 = arith.constant 0 : i32
        %sign3A_466 = arith.cmpi slt, %jit3A_453, %sign3A_465 : i32
        %sign3A_467 = arith.extui %sign3A_466 : i1 to i32
        %sign3A_468 = arith.subi %sign3A_464, %sign3A_467 : i32
        %ne3A_469 = arith.cmpi ne, %sign3A_461, %sign3A_468 : i32
        %rem3A_470 = arith.remsi %sub3A_452, %jit3A_453 : i32
        %ne3A_471 = arith.constant 0 : i32
        %ne3A_472 = arith.cmpi ne, %rem3A_470, %ne3A_471 : i32
        %and3A_473 = arith.andi %ne3A_469, %ne3A_472 : i1
        %sub3A_474 = arith.constant 1 : i32
        %sub3A_475 = arith.subi %div3A_454, %sub3A_474 : i32
        %select_n3A_476 = arith.select %and3A_473, %sub3A_475, %div3A_454 : i32
        %mul3A_477 = arith.constant 32 : i32
        %mul3A_478 = arith.muli %select_n3A_476, %mul3A_477 : i32
        %sub3A_479 = arith.subi %sub3A_452, %mul3A_478 : i32
        %jit3A_480 = arith.constant 4 : i32
        %div3A_481 = arith.divsi %sub3A_479, %jit3A_480 : i32
        %sign3A_482 = arith.constant 0 : i32
        %sign3A_483 = arith.cmpi sgt, %sub3A_479, %sign3A_482 : i32
        %sign3A_484 = arith.extui %sign3A_483 : i1 to i32
        %sign3A_485 = arith.constant 0 : i32
        %sign3A_486 = arith.cmpi slt, %sub3A_479, %sign3A_485 : i32
        %sign3A_487 = arith.extui %sign3A_486 : i1 to i32
        %sign3A_488 = arith.subi %sign3A_484, %sign3A_487 : i32
        %sign3A_489 = arith.constant 0 : i32
        %sign3A_490 = arith.cmpi sgt, %jit3A_480, %sign3A_489 : i32
        %sign3A_491 = arith.extui %sign3A_490 : i1 to i32
        %sign3A_492 = arith.constant 0 : i32
        %sign3A_493 = arith.cmpi slt, %jit3A_480, %sign3A_492 : i32
        %sign3A_494 = arith.extui %sign3A_493 : i1 to i32
        %sign3A_495 = arith.subi %sign3A_491, %sign3A_494 : i32
        %ne3A_496 = arith.cmpi ne, %sign3A_488, %sign3A_495 : i32
        %rem3A_497 = arith.remsi %sub3A_479, %jit3A_480 : i32
        %ne3A_498 = arith.constant 0 : i32
        %ne3A_499 = arith.cmpi ne, %rem3A_497, %ne3A_498 : i32
        %and3A_500 = arith.andi %ne3A_496, %ne3A_499 : i1
        %sub3A_501 = arith.constant 1 : i32
        %sub3A_502 = arith.subi %div3A_481, %sub3A_501 : i32
        %select_n3A_503 = arith.select %and3A_500, %sub3A_502, %div3A_481 : i32
        %mul3A_504 = arith.constant 4 : i32
        %mul3A_505 = arith.muli %select_n3A_503, %mul3A_504 : i32
        %sub3A_506 = arith.subi %sub3A_479, %mul3A_505 : i32
        %mul3A_507 = arith.constant 1000 : i32
        %mul3A_508 = arith.muli %sub3A_506, %mul3A_507 : i32
        %dma_wait3A_509 = arith.constant 0 : i32
        %dma_wait3A_510 = tpu.memref_slice %arg6[%select_n3A_476, %mul3A_508, %select_n3A_503, %dma_wait3A_509] : memref<10x4000x8x16xf32, #tpu.memory_space<hbm>> -> memref<1x1000x1x16xf32, #tpu.memory_space<hbm>>
        %dma_wait3A_511 = tpu.memref_squeeze %dma_wait3A_510 : memref<1x1000x1x16xf32, #tpu.memory_space<hbm>> -> memref<1000x16xf32, #tpu.memory_space<hbm>>
        %dma_wait3A_512 = arith.constant 0 : i32
        %dma_wait3A_513 = tpu.memref_slice %arg6[%select_n3A_476, %mul3A_508, %select_n3A_503, %dma_wait3A_512] : memref<10x4000x8x16xf32, #tpu.memory_space<hbm>> -> memref<1x1000x1x16xf32, #tpu.memory_space<hbm>>
        %dma_wait3A_514 = tpu.memref_squeeze %dma_wait3A_513 : memref<1x1000x1x16xf32, #tpu.memory_space<hbm>> -> memref<1000x16xf32, #tpu.memory_space<hbm>>
        tpu.wait_dma2 semaphore(%arg17 : memref<!tpu.dma_semaphore, #tpu.memory_space<semaphore_mem>>) src(%arg11 : memref<1000x16xf32, #tpu.memory_space<vmem>>) dst(%dma_wait3A_514 : memref<1000x16xf32, #tpu.memory_space<hbm>>)
        %sub3A_515 = arith.constant 2 : i32
        %sub3A_516 = arith.subi %add3A_284, %sub3A_515 : i32
        %jit3A_517 = arith.constant 32 : i32
        %div3A_518 = arith.divsi %sub3A_516, %jit3A_517 : i32
        %sign3A_519 = arith.constant 0 : i32
        %sign3A_520 = arith.cmpi sgt, %sub3A_516, %sign3A_519 : i32
        %sign3A_521 = arith.extui %sign3A_520 : i1 to i32
        %sign3A_522 = arith.constant 0 : i32
        %sign3A_523 = arith.cmpi slt, %sub3A_516, %sign3A_522 : i32
        %sign3A_524 = arith.extui %sign3A_523 : i1 to i32
        %sign3A_525 = arith.subi %sign3A_521, %sign3A_524 : i32
        %sign3A_526 = arith.constant 0 : i32
        %sign3A_527 = arith.cmpi sgt, %jit3A_517, %sign3A_526 : i32
        %sign3A_528 = arith.extui %sign3A_527 : i1 to i32
        %sign3A_529 = arith.constant 0 : i32
        %sign3A_530 = arith.cmpi slt, %jit3A_517, %sign3A_529 : i32
        %sign3A_531 = arith.extui %sign3A_530 : i1 to i32
        %sign3A_532 = arith.subi %sign3A_528, %sign3A_531 : i32
        %ne3A_533 = arith.cmpi ne, %sign3A_525, %sign3A_532 : i32
        %rem3A_534 = arith.remsi %sub3A_516, %jit3A_517 : i32
        %ne3A_535 = arith.constant 0 : i32
        %ne3A_536 = arith.cmpi ne, %rem3A_534, %ne3A_535 : i32
        %and3A_537 = arith.andi %ne3A_533, %ne3A_536 : i1
        %sub3A_538 = arith.constant 1 : i32
        %sub3A_539 = arith.subi %div3A_518, %sub3A_538 : i32
        %select_n3A_540 = arith.select %and3A_537, %sub3A_539, %div3A_518 : i32
        %mul3A_541 = arith.constant 32 : i32
        %mul3A_542 = arith.muli %select_n3A_540, %mul3A_541 : i32
        %sub3A_543 = arith.subi %sub3A_516, %mul3A_542 : i32
        %jit3A_544 = arith.constant 4 : i32
        %div3A_545 = arith.divsi %sub3A_543, %jit3A_544 : i32
        %sign3A_546 = arith.constant 0 : i32
        %sign3A_547 = arith.cmpi sgt, %sub3A_543, %sign3A_546 : i32
        %sign3A_548 = arith.extui %sign3A_547 : i1 to i32
        %sign3A_549 = arith.constant 0 : i32
        %sign3A_550 = arith.cmpi slt, %sub3A_543, %sign3A_549 : i32
        %sign3A_551 = arith.extui %sign3A_550 : i1 to i32
        %sign3A_552 = arith.subi %sign3A_548, %sign3A_551 : i32
        %sign3A_553 = arith.constant 0 : i32
        %sign3A_554 = arith.cmpi sgt, %jit3A_544, %sign3A_553 : i32
        %sign3A_555 = arith.extui %sign3A_554 : i1 to i32
        %sign3A_556 = arith.constant 0 : i32
        %sign3A_557 = arith.cmpi slt, %jit3A_544, %sign3A_556 : i32
        %sign3A_558 = arith.extui %sign3A_557 : i1 to i32
        %sign3A_559 = arith.subi %sign3A_555, %sign3A_558 : i32
        %ne3A_560 = arith.cmpi ne, %sign3A_552, %sign3A_559 : i32
        %rem3A_561 = arith.remsi %sub3A_543, %jit3A_544 : i32
        %ne3A_562 = arith.constant 0 : i32
        %ne3A_563 = arith.cmpi ne, %rem3A_561, %ne3A_562 : i32
        %and3A_564 = arith.andi %ne3A_560, %ne3A_563 : i1
        %sub3A_565 = arith.constant 1 : i32
        %sub3A_566 = arith.subi %div3A_545, %sub3A_565 : i32
        %select_n3A_567 = arith.select %and3A_564, %sub3A_566, %div3A_545 : i32
        %mul3A_568 = arith.constant 4 : i32
        %mul3A_569 = arith.muli %select_n3A_567, %mul3A_568 : i32
        %sub3A_570 = arith.subi %sub3A_543, %mul3A_569 : i32
        %mul3A_571 = arith.constant 1000 : i32
        %mul3A_572 = arith.muli %sub3A_570, %mul3A_571 : i32
        %dma_wait3A_573 = arith.constant 0 : i32
        %dma_wait3A_574 = tpu.memref_slice %arg6[%select_n3A_540, %mul3A_572, %select_n3A_567, %dma_wait3A_573] : memref<10x4000x8x16xf32, #tpu.memory_space<hbm>> -> memref<1x1000x1x16xf32, #tpu.memory_space<hbm>>
        %dma_wait3A_575 = tpu.memref_squeeze %dma_wait3A_574 : memref<1x1000x1x16xf32, #tpu.memory_space<hbm>> -> memref<1000x16xf32, #tpu.memory_space<hbm>>
        %dma_wait3A_576 = arith.constant 0 : i32
        %dma_wait3A_577 = tpu.memref_slice %arg6[%select_n3A_540, %mul3A_572, %select_n3A_567, %dma_wait3A_576] : memref<10x4000x8x16xf32, #tpu.memory_space<hbm>> -> memref<1x1000x1x16xf32, #tpu.memory_space<hbm>>
        %dma_wait3A_578 = tpu.memref_squeeze %dma_wait3A_577 : memref<1x1000x1x16xf32, #tpu.memory_space<hbm>> -> memref<1000x16xf32, #tpu.memory_space<hbm>>
        tpu.wait_dma2 semaphore(%arg18 : memref<!tpu.dma_semaphore, #tpu.memory_space<semaphore_mem>>) src(%arg12 : memref<1000x16xf32, #tpu.memory_space<vmem>>) dst(%dma_wait3A_578 : memref<1000x16xf32, #tpu.memory_space<hbm>>)
      } else {
      }
      %dma_start3A_287 = arith.constant 0 : i32
      %dma_start3A_288 = arith.constant 0 : i32
      %dma_start3A_289 = tpu.memref_slice %arg2[%dma_start3A_287, %dma_start3A_288] : memref<10000x16xf32, #tpu.memory_space<hbm>> -> memref<10000x16xf32, #tpu.memory_space<hbm>>
      tpu.enqueue_indirect_dma source(%dma_start3A_289 : memref<10000x16xf32, #tpu.memory_space<hbm>>) target(%arg11 : memref<1000x16xf32, #tpu.memory_space<vmem>>) offsets(%arg7 : memref<1000xi32, #tpu.memory_space<vmem>>) semaphore(%arg13 : memref<!tpu.dma_semaphore, #tpu.memory_space<semaphore_mem>>)
      %dma_start3A_290 = arith.constant 0 : i32
      %dma_start3A_291 = arith.constant 0 : i32
      %dma_start3A_292 = tpu.memref_slice %arg2[%dma_start3A_290, %dma_start3A_291] : memref<10000x16xf32, #tpu.memory_space<hbm>> -> memref<10000x16xf32, #tpu.memory_space<hbm>>
      tpu.enqueue_indirect_dma source(%dma_start3A_292 : memref<10000x16xf32, #tpu.memory_space<hbm>>) target(%arg12 : memref<1000x16xf32, #tpu.memory_space<vmem>>) offsets(%arg9 : memref<1000xi32, #tpu.memory_space<vmem>>) semaphore(%arg15 : memref<!tpu.dma_semaphore, #tpu.memory_space<semaphore_mem>>)
      %dma_wait3A_293 = arith.constant 0 : i32
      %dma_wait3A_294 = arith.constant 0 : i32
      %dma_wait3A_295 = tpu.memref_slice %arg2[%dma_wait3A_293, %dma_wait3A_294] : memref<10000x16xf32, #tpu.memory_space<hbm>> -> memref<1000x16xf32, #tpu.memory_space<hbm>>
      %dma_wait3A_296 = arith.constant 0 : i32
      %dma_wait3A_297 = arith.constant 0 : i32
      %dma_wait3A_298 = tpu.memref_slice %arg2[%dma_wait3A_296, %dma_wait3A_297] : memref<10000x16xf32, #tpu.memory_space<hbm>> -> memref<1000x16xf32, #tpu.memory_space<hbm>>
      tpu.wait_dma2 semaphore(%arg13 : memref<!tpu.dma_semaphore, #tpu.memory_space<semaphore_mem>>) src(%dma_wait3A_298 : memref<1000x16xf32, #tpu.memory_space<hbm>>) dst(%arg11 : memref<1000x16xf32, #tpu.memory_space<vmem>>)
      %dma_start3A_299 = arith.constant 0 : i32
      %dma_start3A_300 = arith.constant 0 : i32
      %dma_start3A_301 = tpu.memref_slice %arg3[%dma_start3A_299, %dma_start3A_300] : memref<10000x16xf32, #tpu.memory_space<hbm>> -> memref<10000x16xf32, #tpu.memory_space<hbm>>
      tpu.enqueue_indirect_dma source(%dma_start3A_301 : memref<10000x16xf32, #tpu.memory_space<hbm>>) target(%arg11 : memref<1000x16xf32, #tpu.memory_space<vmem>>) offsets(%arg8 : memref<1000xi32, #tpu.memory_space<vmem>>) semaphore(%arg14 : memref<!tpu.dma_semaphore, #tpu.memory_space<semaphore_mem>>) {add = true}
      %dma_wait3A_302 = arith.constant 0 : i32
      %dma_wait3A_303 = arith.constant 0 : i32
      %dma_wait3A_304 = tpu.memref_slice %arg2[%dma_wait3A_302, %dma_wait3A_303] : memref<10000x16xf32, #tpu.memory_space<hbm>> -> memref<1000x16xf32, #tpu.memory_space<hbm>>
      %dma_wait3A_305 = arith.constant 0 : i32
      %dma_wait3A_306 = arith.constant 0 : i32
      %dma_wait3A_307 = tpu.memref_slice %arg2[%dma_wait3A_305, %dma_wait3A_306] : memref<10000x16xf32, #tpu.memory_space<hbm>> -> memref<1000x16xf32, #tpu.memory_space<hbm>>
      tpu.wait_dma2 semaphore(%arg15 : memref<!tpu.dma_semaphore, #tpu.memory_space<semaphore_mem>>) src(%dma_wait3A_307 : memref<1000x16xf32, #tpu.memory_space<hbm>>) dst(%arg12 : memref<1000x16xf32, #tpu.memory_space<vmem>>)
      %dma_start3A_308 = arith.constant 0 : i32
      %dma_start3A_309 = arith.constant 0 : i32
      %dma_start3A_310 = tpu.memref_slice %arg3[%dma_start3A_308, %dma_start3A_309] : memref<10000x16xf32, #tpu.memory_space<hbm>> -> memref<10000x16xf32, #tpu.memory_space<hbm>>
      tpu.enqueue_indirect_dma source(%dma_start3A_310 : memref<10000x16xf32, #tpu.memory_space<hbm>>) target(%arg12 : memref<1000x16xf32, #tpu.memory_space<vmem>>) offsets(%arg10 : memref<1000xi32, #tpu.memory_space<vmem>>) semaphore(%arg16 : memref<!tpu.dma_semaphore, #tpu.memory_space<semaphore_mem>>) {add = true}
      %dma_wait3A_311 = arith.constant 0 : i32
      %dma_wait3A_312 = arith.constant 0 : i32
      %dma_wait3A_313 = tpu.memref_slice %arg3[%dma_wait3A_311, %dma_wait3A_312] : memref<10000x16xf32, #tpu.memory_space<hbm>> -> memref<1000x16xf32, #tpu.memory_space<hbm>>
      %dma_wait3A_314 = arith.constant 0 : i32
      %dma_wait3A_315 = arith.constant 0 : i32
      %dma_wait3A_316 = tpu.memref_slice %arg3[%dma_wait3A_314, %dma_wait3A_315] : memref<10000x16xf32, #tpu.memory_space<hbm>> -> memref<1000x16xf32, #tpu.memory_space<hbm>>
      tpu.wait_dma2 semaphore(%arg14 : memref<!tpu.dma_semaphore, #tpu.memory_space<semaphore_mem>>) src(%dma_wait3A_316 : memref<1000x16xf32, #tpu.memory_space<hbm>>) dst(%arg11 : memref<1000x16xf32, #tpu.memory_space<vmem>>)
      %jit3A_317 = arith.constant 32 : i32
      %div3A_318 = arith.divsi %add3A_282, %jit3A_317 : i32
      %sign3A_319 = arith.constant 0 : i32
      %sign3A_320 = arith.cmpi sgt, %add3A_282, %sign3A_319 : i32
      %sign3A_321 = arith.extui %sign3A_320 : i1 to i32
      %sign3A_322 = arith.constant 0 : i32
      %sign3A_323 = arith.cmpi slt, %add3A_282, %sign3A_322 : i32
      %sign3A_324 = arith.extui %sign3A_323 : i1 to i32
      %sign3A_325 = arith.subi %sign3A_321, %sign3A_324 : i32
      %sign3A_326 = arith.constant 0 : i32
      %sign3A_327 = arith.cmpi sgt, %jit3A_317, %sign3A_326 : i32
      %sign3A_328 = arith.extui %sign3A_327 : i1 to i32
      %sign3A_329 = arith.constant 0 : i32
      %sign3A_330 = arith.cmpi slt, %jit3A_317, %sign3A_329 : i32
      %sign3A_331 = arith.extui %sign3A_330 : i1 to i32
      %sign3A_332 = arith.subi %sign3A_328, %sign3A_331 : i32
      %ne3A_333 = arith.cmpi ne, %sign3A_325, %sign3A_332 : i32
      %rem3A_334 = arith.remsi %add3A_282, %jit3A_317 : i32
      %ne3A_335 = arith.constant 0 : i32
      %ne3A_336 = arith.cmpi ne, %rem3A_334, %ne3A_335 : i32
      %and3A_337 = arith.andi %ne3A_333, %ne3A_336 : i1
      %sub3A_338 = arith.constant 1 : i32
      %sub3A_339 = arith.subi %div3A_318, %sub3A_338 : i32
      %select_n3A_340 = arith.select %and3A_337, %sub3A_339, %div3A_318 : i32
      %mul3A_341 = arith.constant 32 : i32
      %mul3A_342 = arith.muli %select_n3A_340, %mul3A_341 : i32
      %sub3A_343 = arith.subi %add3A_282, %mul3A_342 : i32
      %jit3A_344 = arith.constant 4 : i32
      %div3A_345 = arith.divsi %sub3A_343, %jit3A_344 : i32
      %sign3A_346 = arith.constant 0 : i32
      %sign3A_347 = arith.cmpi sgt, %sub3A_343, %sign3A_346 : i32
      %sign3A_348 = arith.extui %sign3A_347 : i1 to i32
      %sign3A_349 = arith.constant 0 : i32
      %sign3A_350 = arith.cmpi slt, %sub3A_343, %sign3A_349 : i32
      %sign3A_351 = arith.extui %sign3A_350 : i1 to i32
      %sign3A_352 = arith.subi %sign3A_348, %sign3A_351 : i32
      %sign3A_353 = arith.constant 0 : i32
      %sign3A_354 = arith.cmpi sgt, %jit3A_344, %sign3A_353 : i32
      %sign3A_355 = arith.extui %sign3A_354 : i1 to i32
      %sign3A_356 = arith.constant 0 : i32
      %sign3A_357 = arith.cmpi slt, %jit3A_344, %sign3A_356 : i32
      %sign3A_358 = arith.extui %sign3A_357 : i1 to i32
      %sign3A_359 = arith.subi %sign3A_355, %sign3A_358 : i32
      %ne3A_360 = arith.cmpi ne, %sign3A_352, %sign3A_359 : i32
      %rem3A_361 = arith.remsi %sub3A_343, %jit3A_344 : i32
      %ne3A_362 = arith.constant 0 : i32
      %ne3A_363 = arith.cmpi ne, %rem3A_361, %ne3A_362 : i32
      %and3A_364 = arith.andi %ne3A_360, %ne3A_363 : i1
      %sub3A_365 = arith.constant 1 : i32
      %sub3A_366 = arith.subi %div3A_345, %sub3A_365 : i32
      %select_n3A_367 = arith.select %and3A_364, %sub3A_366, %div3A_345 : i32
      %mul3A_368 = arith.constant 4 : i32
      %mul3A_369 = arith.muli %select_n3A_367, %mul3A_368 : i32
      %sub3A_370 = arith.subi %sub3A_343, %mul3A_369 : i32
      %mul3A_371 = arith.constant 1000 : i32
      %mul3A_372 = arith.muli %sub3A_370, %mul3A_371 : i32
      %dma_start3A_373 = arith.constant 0 : i32
      %dma_start3A_374 = tpu.memref_slice %arg6[%select_n3A_340, %mul3A_372, %select_n3A_367, %dma_start3A_373] : memref<10x4000x8x16xf32, #tpu.memory_space<hbm>> -> memref<1x1000x1x16xf32, #tpu.memory_space<hbm>>
      %dma_start3A_375 = tpu.memref_squeeze %dma_start3A_374 : memref<1x1000x1x16xf32, #tpu.memory_space<hbm>> -> memref<1000x16xf32, #tpu.memory_space<hbm>>
      %dma_start3A_376 = arith.constant 0 : i32
      %dma_start3A_377 = tpu.memref_slice %arg6[%select_n3A_340, %mul3A_372, %select_n3A_367, %dma_start3A_376] : memref<10x4000x8x16xf32, #tpu.memory_space<hbm>> -> memref<1x1000x1x16xf32, #tpu.memory_space<hbm>>
      %dma_start3A_378 = tpu.memref_squeeze %dma_start3A_377 : memref<1x1000x1x16xf32, #tpu.memory_space<hbm>> -> memref<1000x16xf32, #tpu.memory_space<hbm>>
      tpu.enqueue_dma source(%arg11 : memref<1000x16xf32, #tpu.memory_space<vmem>>) target(%dma_start3A_378 : memref<1000x16xf32, #tpu.memory_space<hbm>>) target_semaphore(%arg17 : memref<!tpu.dma_semaphore, #tpu.memory_space<semaphore_mem>>)
      %dma_wait3A_379 = arith.constant 0 : i32
      %dma_wait3A_380 = arith.constant 0 : i32
      %dma_wait3A_381 = tpu.memref_slice %arg3[%dma_wait3A_379, %dma_wait3A_380] : memref<10000x16xf32, #tpu.memory_space<hbm>> -> memref<1000x16xf32, #tpu.memory_space<hbm>>
      %dma_wait3A_382 = arith.constant 0 : i32
      %dma_wait3A_383 = arith.constant 0 : i32
      %dma_wait3A_384 = tpu.memref_slice %arg3[%dma_wait3A_382, %dma_wait3A_383] : memref<10000x16xf32, #tpu.memory_space<hbm>> -> memref<1000x16xf32, #tpu.memory_space<hbm>>
      tpu.wait_dma2 semaphore(%arg16 : memref<!tpu.dma_semaphore, #tpu.memory_space<semaphore_mem>>) src(%dma_wait3A_384 : memref<1000x16xf32, #tpu.memory_space<hbm>>) dst(%arg12 : memref<1000x16xf32, #tpu.memory_space<vmem>>)
      %jit3A_385 = arith.constant 32 : i32
      %div3A_386 = arith.divsi %add3A_284, %jit3A_385 : i32
      %sign3A_387 = arith.constant 0 : i32
      %sign3A_388 = arith.cmpi sgt, %add3A_284, %sign3A_387 : i32
      %sign3A_389 = arith.extui %sign3A_388 : i1 to i32
      %sign3A_390 = arith.constant 0 : i32
      %sign3A_391 = arith.cmpi slt, %add3A_284, %sign3A_390 : i32
      %sign3A_392 = arith.extui %sign3A_391 : i1 to i32
      %sign3A_393 = arith.subi %sign3A_389, %sign3A_392 : i32
      %sign3A_394 = arith.constant 0 : i32
      %sign3A_395 = arith.cmpi sgt, %jit3A_385, %sign3A_394 : i32
      %sign3A_396 = arith.extui %sign3A_395 : i1 to i32
      %sign3A_397 = arith.constant 0 : i32
      %sign3A_398 = arith.cmpi slt, %jit3A_385, %sign3A_397 : i32
      %sign3A_399 = arith.extui %sign3A_398 : i1 to i32
      %sign3A_400 = arith.subi %sign3A_396, %sign3A_399 : i32
      %ne3A_401 = arith.cmpi ne, %sign3A_393, %sign3A_400 : i32
      %rem3A_402 = arith.remsi %add3A_284, %jit3A_385 : i32
      %ne3A_403 = arith.constant 0 : i32
      %ne3A_404 = arith.cmpi ne, %rem3A_402, %ne3A_403 : i32
      %and3A_405 = arith.andi %ne3A_401, %ne3A_404 : i1
      %sub3A_406 = arith.constant 1 : i32
      %sub3A_407 = arith.subi %div3A_386, %sub3A_406 : i32
      %select_n3A_408 = arith.select %and3A_405, %sub3A_407, %div3A_386 : i32
      %mul3A_409 = arith.constant 32 : i32
      %mul3A_410 = arith.muli %select_n3A_408, %mul3A_409 : i32
      %sub3A_411 = arith.subi %add3A_284, %mul3A_410 : i32
      %jit3A_412 = arith.constant 4 : i32
      %div3A_413 = arith.divsi %sub3A_411, %jit3A_412 : i32
      %sign3A_414 = arith.constant 0 : i32
      %sign3A_415 = arith.cmpi sgt, %sub3A_411, %sign3A_414 : i32
      %sign3A_416 = arith.extui %sign3A_415 : i1 to i32
      %sign3A_417 = arith.constant 0 : i32
      %sign3A_418 = arith.cmpi slt, %sub3A_411, %sign3A_417 : i32
      %sign3A_419 = arith.extui %sign3A_418 : i1 to i32
      %sign3A_420 = arith.subi %sign3A_416, %sign3A_419 : i32
      %sign3A_421 = arith.constant 0 : i32
      %sign3A_422 = arith.cmpi sgt, %jit3A_412, %sign3A_421 : i32
      %sign3A_423 = arith.extui %sign3A_422 : i1 to i32
      %sign3A_424 = arith.constant 0 : i32
      %sign3A_425 = arith.cmpi slt, %jit3A_412, %sign3A_424 : i32
      %sign3A_426 = arith.extui %sign3A_425 : i1 to i32
      %sign3A_427 = arith.subi %sign3A_423, %sign3A_426 : i32
      %ne3A_428 = arith.cmpi ne, %sign3A_420, %sign3A_427 : i32
      %rem3A_429 = arith.remsi %sub3A_411, %jit3A_412 : i32
      %ne3A_430 = arith.constant 0 : i32
      %ne3A_431 = arith.cmpi ne, %rem3A_429, %ne3A_430 : i32
      %and3A_432 = arith.andi %ne3A_428, %ne3A_431 : i1
      %sub3A_433 = arith.constant 1 : i32
      %sub3A_434 = arith.subi %div3A_413, %sub3A_433 : i32
      %select_n3A_435 = arith.select %and3A_432, %sub3A_434, %div3A_413 : i32
      %mul3A_436 = arith.constant 4 : i32
      %mul3A_437 = arith.muli %select_n3A_435, %mul3A_436 : i32
      %sub3A_438 = arith.subi %sub3A_411, %mul3A_437 : i32
      %mul3A_439 = arith.constant 1000 : i32
      %mul3A_440 = arith.muli %sub3A_438, %mul3A_439 : i32
      %dma_start3A_441 = arith.constant 0 : i32
      %dma_start3A_442 = tpu.memref_slice %arg6[%select_n3A_408, %mul3A_440, %select_n3A_435, %dma_start3A_441] : memref<10x4000x8x16xf32, #tpu.memory_space<hbm>> -> memref<1x1000x1x16xf32, #tpu.memory_space<hbm>>
      %dma_start3A_443 = tpu.memref_squeeze %dma_start3A_442 : memref<1x1000x1x16xf32, #tpu.memory_space<hbm>> -> memref<1000x16xf32, #tpu.memory_space<hbm>>
      %dma_start3A_444 = arith.constant 0 : i32
      %dma_start3A_445 = tpu.memref_slice %arg6[%select_n3A_408, %mul3A_440, %select_n3A_435, %dma_start3A_444] : memref<10x4000x8x16xf32, #tpu.memory_space<hbm>> -> memref<1x1000x1x16xf32, #tpu.memory_space<hbm>>
      %dma_start3A_446 = tpu.memref_squeeze %dma_start3A_445 : memref<1x1000x1x16xf32, #tpu.memory_space<hbm>> -> memref<1000x16xf32, #tpu.memory_space<hbm>>
      tpu.enqueue_dma source(%arg12 : memref<1000x16xf32, #tpu.memory_space<vmem>>) target(%dma_start3A_446 : memref<1000x16xf32, #tpu.memory_space<hbm>>) target_semaphore(%arg18 : memref<!tpu.dma_semaphore, #tpu.memory_space<semaphore_mem>>)
      %lt3A = arith.constant 4 : i32
      %lt3A_447 = arith.cmpi slt, %scan3A_279, %lt3A : i32
      %convert_element_type3A_448 = arith.extui %lt3A_447 : i1 to i32
      %cond3A_449 = arith.constant 0 : i32
      %cond3A_450 = arith.cmpi ne, %convert_element_type3A_448, %cond3A_449 : i32
      scf.if %cond3A_450 {
        %add3A_451 = arith.constant 2 : i32
        %add3A_452 = arith.addi %add3A_282, %add3A_451 : i32
        %jit3A_453 = arith.constant 32 : i32
        %div3A_454 = arith.divsi %add3A_452, %jit3A_453 : i32
        %sign3A_455 = arith.constant 0 : i32
        %sign3A_456 = arith.cmpi sgt, %add3A_452, %sign3A_455 : i32
        %sign3A_457 = arith.extui %sign3A_456 : i1 to i32
        %sign3A_458 = arith.constant 0 : i32
        %sign3A_459 = arith.cmpi slt, %add3A_452, %sign3A_458 : i32
        %sign3A_460 = arith.extui %sign3A_459 : i1 to i32
        %sign3A_461 = arith.subi %sign3A_457, %sign3A_460 : i32
        %sign3A_462 = arith.constant 0 : i32
        %sign3A_463 = arith.cmpi sgt, %jit3A_453, %sign3A_462 : i32
        %sign3A_464 = arith.extui %sign3A_463 : i1 to i32
        %sign3A_465 = arith.constant 0 : i32
        %sign3A_466 = arith.cmpi slt, %jit3A_453, %sign3A_465 : i32
        %sign3A_467 = arith.extui %sign3A_466 : i1 to i32
        %sign3A_468 = arith.subi %sign3A_464, %sign3A_467 : i32
        %ne3A_469 = arith.cmpi ne, %sign3A_461, %sign3A_468 : i32
        %rem3A_470 = arith.remsi %add3A_452, %jit3A_453 : i32
        %ne3A_471 = arith.constant 0 : i32
        %ne3A_472 = arith.cmpi ne, %rem3A_470, %ne3A_471 : i32
        %and3A_473 = arith.andi %ne3A_469, %ne3A_472 : i1
        %sub3A_474 = arith.constant 1 : i32
        %sub3A_475 = arith.subi %div3A_454, %sub3A_474 : i32
        %select_n3A_476 = arith.select %and3A_473, %sub3A_475, %div3A_454 : i32
        %mul3A_477 = arith.constant 32 : i32
        %mul3A_478 = arith.muli %select_n3A_476, %mul3A_477 : i32
        %sub3A_479 = arith.subi %add3A_452, %mul3A_478 : i32
        %jit3A_480 = arith.constant 4 : i32
        %div3A_481 = arith.divsi %sub3A_479, %jit3A_480 : i32
        %sign3A_482 = arith.constant 0 : i32
        %sign3A_483 = arith.cmpi sgt, %sub3A_479, %sign3A_482 : i32
        %sign3A_484 = arith.extui %sign3A_483 : i1 to i32
        %sign3A_485 = arith.constant 0 : i32
        %sign3A_486 = arith.cmpi slt, %sub3A_479, %sign3A_485 : i32
        %sign3A_487 = arith.extui %sign3A_486 : i1 to i32
        %sign3A_488 = arith.subi %sign3A_484, %sign3A_487 : i32
        %sign3A_489 = arith.constant 0 : i32
        %sign3A_490 = arith.cmpi sgt, %jit3A_480, %sign3A_489 : i32
        %sign3A_491 = arith.extui %sign3A_490 : i1 to i32
        %sign3A_492 = arith.constant 0 : i32
        %sign3A_493 = arith.cmpi slt, %jit3A_480, %sign3A_492 : i32
        %sign3A_494 = arith.extui %sign3A_493 : i1 to i32
        %sign3A_495 = arith.subi %sign3A_491, %sign3A_494 : i32
        %ne3A_496 = arith.cmpi ne, %sign3A_488, %sign3A_495 : i32
        %rem3A_497 = arith.remsi %sub3A_479, %jit3A_480 : i32
        %ne3A_498 = arith.constant 0 : i32
        %ne3A_499 = arith.cmpi ne, %rem3A_497, %ne3A_498 : i32
        %and3A_500 = arith.andi %ne3A_496, %ne3A_499 : i1
        %sub3A_501 = arith.constant 1 : i32
        %sub3A_502 = arith.subi %div3A_481, %sub3A_501 : i32
        %select_n3A_503 = arith.select %and3A_500, %sub3A_502, %div3A_481 : i32
        %mul3A_504 = arith.constant 4 : i32
        %mul3A_505 = arith.muli %select_n3A_503, %mul3A_504 : i32
        %sub3A_506 = arith.subi %sub3A_479, %mul3A_505 : i32
        %mul3A_507 = arith.constant 1000 : i32
        %mul3A_508 = arith.muli %sub3A_506, %mul3A_507 : i32
        %mul3A_509 = arith.constant 32000 : i32
        %mul3A_510 = arith.muli %select_n3A_476, %mul3A_509 : i32
        %mul3A_511 = arith.constant 4000 : i32
        %mul3A_512 = arith.muli %select_n3A_503, %mul3A_511 : i32
        %add3A_513 = arith.addi %mul3A_510, %mul3A_512 : i32
        %add3A_514 = arith.addi %add3A_513, %mul3A_508 : i32
        %multiple_of3A_515 = tpu.assume_multiple %add3A_514, 8 : i32
        %dma_start3A_516 = tpu.memref_slice %arg4[%multiple_of3A_515] : memref<320000xi32, #tpu.memory_space<hbm>> -> memref<1000xi32, #tpu.memory_space<hbm>>
        %dma_start3A_517 = tpu.memref_slice %arg4[%multiple_of3A_515] : memref<320000xi32, #tpu.memory_space<hbm>> -> memref<1000xi32, #tpu.memory_space<hbm>>
        tpu.enqueue_dma source(%dma_start3A_517 : memref<1000xi32, #tpu.memory_space<hbm>>) target(%arg7 : memref<1000xi32, #tpu.memory_space<vmem>>) target_semaphore(%arg13 : memref<!tpu.dma_semaphore, #tpu.memory_space<semaphore_mem>>)
        %dma_start3A_518 = tpu.memref_slice %arg5[%multiple_of3A_515] : memref<320000xi32, #tpu.memory_space<hbm>> -> memref<1000xi32, #tpu.memory_space<hbm>>
        %dma_start3A_519 = tpu.memref_slice %arg5[%multiple_of3A_515] : memref<320000xi32, #tpu.memory_space<hbm>> -> memref<1000xi32, #tpu.memory_space<hbm>>
        tpu.enqueue_dma source(%dma_start3A_519 : memref<1000xi32, #tpu.memory_space<hbm>>) target(%arg8 : memref<1000xi32, #tpu.memory_space<vmem>>) target_semaphore(%arg13 : memref<!tpu.dma_semaphore, #tpu.memory_space<semaphore_mem>>)
        %add3A_520 = arith.constant 2 : i32
        %add3A_521 = arith.addi %add3A_284, %add3A_520 : i32
        %jit3A_522 = arith.constant 32 : i32
        %div3A_523 = arith.divsi %add3A_521, %jit3A_522 : i32
        %sign3A_524 = arith.constant 0 : i32
        %sign3A_525 = arith.cmpi sgt, %add3A_521, %sign3A_524 : i32
        %sign3A_526 = arith.extui %sign3A_525 : i1 to i32
        %sign3A_527 = arith.constant 0 : i32
        %sign3A_528 = arith.cmpi slt, %add3A_521, %sign3A_527 : i32
        %sign3A_529 = arith.extui %sign3A_528 : i1 to i32
        %sign3A_530 = arith.subi %sign3A_526, %sign3A_529 : i32
        %sign3A_531 = arith.constant 0 : i32
        %sign3A_532 = arith.cmpi sgt, %jit3A_522, %sign3A_531 : i32
        %sign3A_533 = arith.extui %sign3A_532 : i1 to i32
        %sign3A_534 = arith.constant 0 : i32
        %sign3A_535 = arith.cmpi slt, %jit3A_522, %sign3A_534 : i32
        %sign3A_536 = arith.extui %sign3A_535 : i1 to i32
        %sign3A_537 = arith.subi %sign3A_533, %sign3A_536 : i32
        %ne3A_538 = arith.cmpi ne, %sign3A_530, %sign3A_537 : i32
        %rem3A_539 = arith.remsi %add3A_521, %jit3A_522 : i32
        %ne3A_540 = arith.constant 0 : i32
        %ne3A_541 = arith.cmpi ne, %rem3A_539, %ne3A_540 : i32
        %and3A_542 = arith.andi %ne3A_538, %ne3A_541 : i1
        %sub3A_543 = arith.constant 1 : i32
        %sub3A_544 = arith.subi %div3A_523, %sub3A_543 : i32
        %select_n3A_545 = arith.select %and3A_542, %sub3A_544, %div3A_523 : i32
        %mul3A_546 = arith.constant 32 : i32
        %mul3A_547 = arith.muli %select_n3A_545, %mul3A_546 : i32
        %sub3A_548 = arith.subi %add3A_521, %mul3A_547 : i32
        %jit3A_549 = arith.constant 4 : i32
        %div3A_550 = arith.divsi %sub3A_548, %jit3A_549 : i32
        %sign3A_551 = arith.constant 0 : i32
        %sign3A_552 = arith.cmpi sgt, %sub3A_548, %sign3A_551 : i32
        %sign3A_553 = arith.extui %sign3A_552 : i1 to i32
        %sign3A_554 = arith.constant 0 : i32
        %sign3A_555 = arith.cmpi slt, %sub3A_548, %sign3A_554 : i32
        %sign3A_556 = arith.extui %sign3A_555 : i1 to i32
        %sign3A_557 = arith.subi %sign3A_553, %sign3A_556 : i32
        %sign3A_558 = arith.constant 0 : i32
        %sign3A_559 = arith.cmpi sgt, %jit3A_549, %sign3A_558 : i32
        %sign3A_560 = arith.extui %sign3A_559 : i1 to i32
        %sign3A_561 = arith.constant 0 : i32
        %sign3A_562 = arith.cmpi slt, %jit3A_549, %sign3A_561 : i32
        %sign3A_563 = arith.extui %sign3A_562 : i1 to i32
        %sign3A_564 = arith.subi %sign3A_560, %sign3A_563 : i32
        %ne3A_565 = arith.cmpi ne, %sign3A_557, %sign3A_564 : i32
        %rem3A_566 = arith.remsi %sub3A_548, %jit3A_549 : i32
        %ne3A_567 = arith.constant 0 : i32
        %ne3A_568 = arith.cmpi ne, %rem3A_566, %ne3A_567 : i32
        %and3A_569 = arith.andi %ne3A_565, %ne3A_568 : i1
        %sub3A_570 = arith.constant 1 : i32
        %sub3A_571 = arith.subi %div3A_550, %sub3A_570 : i32
        %select_n3A_572 = arith.select %and3A_569, %sub3A_571, %div3A_550 : i32
        %mul3A_573 = arith.constant 4 : i32
        %mul3A_574 = arith.muli %select_n3A_572, %mul3A_573 : i32
        %sub3A_575 = arith.subi %sub3A_548, %mul3A_574 : i32
        %mul3A_576 = arith.constant 1000 : i32
        %mul3A_577 = arith.muli %sub3A_575, %mul3A_576 : i32
        %mul3A_578 = arith.constant 32000 : i32
        %mul3A_579 = arith.muli %select_n3A_545, %mul3A_578 : i32
        %mul3A_580 = arith.constant 4000 : i32
        %mul3A_581 = arith.muli %select_n3A_572, %mul3A_580 : i32
        %add3A_582 = arith.addi %mul3A_579, %mul3A_581 : i32
        %add3A_583 = arith.addi %add3A_582, %mul3A_577 : i32
        %multiple_of3A_584 = tpu.assume_multiple %add3A_583, 8 : i32
        %dma_start3A_585 = tpu.memref_slice %arg4[%multiple_of3A_584] : memref<320000xi32, #tpu.memory_space<hbm>> -> memref<1000xi32, #tpu.memory_space<hbm>>
        %dma_start3A_586 = tpu.memref_slice %arg4[%multiple_of3A_584] : memref<320000xi32, #tpu.memory_space<hbm>> -> memref<1000xi32, #tpu.memory_space<hbm>>
        tpu.enqueue_dma source(%dma_start3A_586 : memref<1000xi32, #tpu.memory_space<hbm>>) target(%arg9 : memref<1000xi32, #tpu.memory_space<vmem>>) target_semaphore(%arg15 : memref<!tpu.dma_semaphore, #tpu.memory_space<semaphore_mem>>)
        %dma_start3A_587 = tpu.memref_slice %arg5[%multiple_of3A_584] : memref<320000xi32, #tpu.memory_space<hbm>> -> memref<1000xi32, #tpu.memory_space<hbm>>
        %dma_start3A_588 = tpu.memref_slice %arg5[%multiple_of3A_584] : memref<320000xi32, #tpu.memory_space<hbm>> -> memref<1000xi32, #tpu.memory_space<hbm>>
        tpu.enqueue_dma source(%dma_start3A_588 : memref<1000xi32, #tpu.memory_space<hbm>>) target(%arg10 : memref<1000xi32, #tpu.memory_space<vmem>>) target_semaphore(%arg15 : memref<!tpu.dma_semaphore, #tpu.memory_space<semaphore_mem>>)
        %dma_wait3A_589 = arith.constant 0 : i32
        %dma_wait3A_590 = tpu.memref_slice %arg4[%dma_wait3A_589] : memref<320000xi32, #tpu.memory_space<hbm>> -> memref<1000xi32, #tpu.memory_space<hbm>>
        %dma_wait3A_591 = arith.constant 0 : i32
        %dma_wait3A_592 = tpu.memref_slice %arg4[%dma_wait3A_591] : memref<320000xi32, #tpu.memory_space<hbm>> -> memref<1000xi32, #tpu.memory_space<hbm>>
        tpu.wait_dma2 semaphore(%arg13 : memref<!tpu.dma_semaphore, #tpu.memory_space<semaphore_mem>>) src(%dma_wait3A_592 : memref<1000xi32, #tpu.memory_space<hbm>>) dst(%arg7 : memref<1000xi32, #tpu.memory_space<vmem>>)
        %dma_wait3A_593 = arith.constant 0 : i32
        %dma_wait3A_594 = tpu.memref_slice %arg5[%dma_wait3A_593] : memref<320000xi32, #tpu.memory_space<hbm>> -> memref<1000xi32, #tpu.memory_space<hbm>>
        %dma_wait3A_595 = arith.constant 0 : i32
        %dma_wait3A_596 = tpu.memref_slice %arg5[%dma_wait3A_595] : memref<320000xi32, #tpu.memory_space<hbm>> -> memref<1000xi32, #tpu.memory_space<hbm>>
        tpu.wait_dma2 semaphore(%arg13 : memref<!tpu.dma_semaphore, #tpu.memory_space<semaphore_mem>>) src(%dma_wait3A_596 : memref<1000xi32, #tpu.memory_space<hbm>>) dst(%arg8 : memref<1000xi32, #tpu.memory_space<vmem>>)
        %dma_wait3A_597 = arith.constant 0 : i32
        %dma_wait3A_598 = tpu.memref_slice %arg4[%dma_wait3A_597] : memref<320000xi32, #tpu.memory_space<hbm>> -> memref<1000xi32, #tpu.memory_space<hbm>>
        %dma_wait3A_599 = arith.constant 0 : i32
        %dma_wait3A_600 = tpu.memref_slice %arg4[%dma_wait3A_599] : memref<320000xi32, #tpu.memory_space<hbm>> -> memref<1000xi32, #tpu.memory_space<hbm>>
        tpu.wait_dma2 semaphore(%arg15 : memref<!tpu.dma_semaphore, #tpu.memory_space<semaphore_mem>>) src(%dma_wait3A_600 : memref<1000xi32, #tpu.memory_space<hbm>>) dst(%arg9 : memref<1000xi32, #tpu.memory_space<vmem>>)
        %dma_wait3A_601 = arith.constant 0 : i32
        %dma_wait3A_602 = tpu.memref_slice %arg5[%dma_wait3A_601] : memref<320000xi32, #tpu.memory_space<hbm>> -> memref<1000xi32, #tpu.memory_space<hbm>>
        %dma_wait3A_603 = arith.constant 0 : i32
        %dma_wait3A_604 = tpu.memref_slice %arg5[%dma_wait3A_603] : memref<320000xi32, #tpu.memory_space<hbm>> -> memref<1000xi32, #tpu.memory_space<hbm>>
        tpu.wait_dma2 semaphore(%arg15 : memref<!tpu.dma_semaphore, #tpu.memory_space<semaphore_mem>>) src(%dma_wait3A_604 : memref<1000xi32, #tpu.memory_space<hbm>>) dst(%arg10 : memref<1000xi32, #tpu.memory_space<vmem>>)
      } else {
      }
    }
    %scan3A_148 = arith.constant 5 : i32
    %add3A_149 = arith.constant 10 : i32
    %add3A_150 = arith.addi %mul3A_2, %add3A_149 : i32
    %sub3A_151 = arith.constant 1 : i32
    %sub3A_152 = arith.subi %add3A_150, %sub3A_151 : i32
    %sub3A_153 = arith.constant 1 : i32
    %sub3A_154 = arith.subi %sub3A_152, %sub3A_153 : i32
    %jit3A_155 = arith.constant 32 : i32
    %div3A_156 = arith.divsi %sub3A_154, %jit3A_155 : i32
    %sign3A_157 = arith.constant 0 : i32
    %sign3A_158 = arith.cmpi sgt, %sub3A_154, %sign3A_157 : i32
    %sign3A_159 = arith.extui %sign3A_158 : i1 to i32
    %sign3A_160 = arith.constant 0 : i32
    %sign3A_161 = arith.cmpi slt, %sub3A_154, %sign3A_160 : i32
    %sign3A_162 = arith.extui %sign3A_161 : i1 to i32
    %sign3A_163 = arith.subi %sign3A_159, %sign3A_162 : i32
    %sign3A_164 = arith.constant 0 : i32
    %sign3A_165 = arith.cmpi sgt, %jit3A_155, %sign3A_164 : i32
    %sign3A_166 = arith.extui %sign3A_165 : i1 to i32
    %sign3A_167 = arith.constant 0 : i32
    %sign3A_168 = arith.cmpi slt, %jit3A_155, %sign3A_167 : i32
    %sign3A_169 = arith.extui %sign3A_168 : i1 to i32
    %sign3A_170 = arith.subi %sign3A_166, %sign3A_169 : i32
    %ne3A_171 = arith.cmpi ne, %sign3A_163, %sign3A_170 : i32
    %rem3A_172 = arith.remsi %sub3A_154, %jit3A_155 : i32
    %ne3A_173 = arith.constant 0 : i32
    %ne3A_174 = arith.cmpi ne, %rem3A_172, %ne3A_173 : i32
    %and3A_175 = arith.andi %ne3A_171, %ne3A_174 : i1
    %sub3A_176 = arith.constant 1 : i32
    %sub3A_177 = arith.subi %div3A_156, %sub3A_176 : i32
    %select_n3A_178 = arith.select %and3A_175, %sub3A_177, %div3A_156 : i32
    %mul3A_179 = arith.constant 32 : i32
    %mul3A_180 = arith.muli %select_n3A_178, %mul3A_179 : i32
    %sub3A_181 = arith.subi %sub3A_154, %mul3A_180 : i32
    %jit3A_182 = arith.constant 4 : i32
    %div3A_183 = arith.divsi %sub3A_181, %jit3A_182 : i32
    %sign3A_184 = arith.constant 0 : i32
    %sign3A_185 = arith.cmpi sgt, %sub3A_181, %sign3A_184 : i32
    %sign3A_186 = arith.extui %sign3A_185 : i1 to i32
    %sign3A_187 = arith.constant 0 : i32
    %sign3A_188 = arith.cmpi slt, %sub3A_181, %sign3A_187 : i32
    %sign3A_189 = arith.extui %sign3A_188 : i1 to i32
    %sign3A_190 = arith.subi %sign3A_186, %sign3A_189 : i32
    %sign3A_191 = arith.constant 0 : i32
    %sign3A_192 = arith.cmpi sgt, %jit3A_182, %sign3A_191 : i32
    %sign3A_193 = arith.extui %sign3A_192 : i1 to i32
    %sign3A_194 = arith.constant 0 : i32
    %sign3A_195 = arith.cmpi slt, %jit3A_182, %sign3A_194 : i32
    %sign3A_196 = arith.extui %sign3A_195 : i1 to i32
    %sign3A_197 = arith.subi %sign3A_193, %sign3A_196 : i32
    %ne3A_198 = arith.cmpi ne, %sign3A_190, %sign3A_197 : i32
    %rem3A_199 = arith.remsi %sub3A_181, %jit3A_182 : i32
    %ne3A_200 = arith.constant 0 : i32
    %ne3A_201 = arith.cmpi ne, %rem3A_199, %ne3A_200 : i32
    %and3A_202 = arith.andi %ne3A_198, %ne3A_201 : i1
    %sub3A_203 = arith.constant 1 : i32
    %sub3A_204 = arith.subi %div3A_183, %sub3A_203 : i32
    %select_n3A_205 = arith.select %and3A_202, %sub3A_204, %div3A_183 : i32
    %mul3A_206 = arith.constant 4 : i32
    %mul3A_207 = arith.muli %select_n3A_205, %mul3A_206 : i32
    %sub3A_208 = arith.subi %sub3A_181, %mul3A_207 : i32
    %mul3A_209 = arith.constant 1000 : i32
    %mul3A_210 = arith.muli %sub3A_208, %mul3A_209 : i32
    %dma_wait3A_211 = arith.constant 0 : i32
    %dma_wait3A_212 = tpu.memref_slice %arg6[%select_n3A_178, %mul3A_210, %select_n3A_205, %dma_wait3A_211] : memref<10x4000x8x16xf32, #tpu.memory_space<hbm>> -> memref<1x1000x1x16xf32, #tpu.memory_space<hbm>>
    %dma_wait3A_213 = tpu.memref_squeeze %dma_wait3A_212 : memref<1x1000x1x16xf32, #tpu.memory_space<hbm>> -> memref<1000x16xf32, #tpu.memory_space<hbm>>
    %dma_wait3A_214 = arith.constant 0 : i32
    %dma_wait3A_215 = tpu.memref_slice %arg6[%select_n3A_178, %mul3A_210, %select_n3A_205, %dma_wait3A_214] : memref<10x4000x8x16xf32, #tpu.memory_space<hbm>> -> memref<1x1000x1x16xf32, #tpu.memory_space<hbm>>
    %dma_wait3A_216 = tpu.memref_squeeze %dma_wait3A_215 : memref<1x1000x1x16xf32, #tpu.memory_space<hbm>> -> memref<1000x16xf32, #tpu.memory_space<hbm>>
    tpu.wait_dma2 semaphore(%arg17 : memref<!tpu.dma_semaphore, #tpu.memory_space<semaphore_mem>>) src(%arg11 : memref<1000x16xf32, #tpu.memory_space<vmem>>) dst(%dma_wait3A_216 : memref<1000x16xf32, #tpu.memory_space<hbm>>)
    %jit3A_217 = arith.constant 32 : i32
    %div3A_218 = arith.divsi %sub3A_152, %jit3A_217 : i32
    %sign3A_219 = arith.constant 0 : i32
    %sign3A_220 = arith.cmpi sgt, %sub3A_152, %sign3A_219 : i32
    %sign3A_221 = arith.extui %sign3A_220 : i1 to i32
    %sign3A_222 = arith.constant 0 : i32
    %sign3A_223 = arith.cmpi slt, %sub3A_152, %sign3A_222 : i32
    %sign3A_224 = arith.extui %sign3A_223 : i1 to i32
    %sign3A_225 = arith.subi %sign3A_221, %sign3A_224 : i32
    %sign3A_226 = arith.constant 0 : i32
    %sign3A_227 = arith.cmpi sgt, %jit3A_217, %sign3A_226 : i32
    %sign3A_228 = arith.extui %sign3A_227 : i1 to i32
    %sign3A_229 = arith.constant 0 : i32
    %sign3A_230 = arith.cmpi slt, %jit3A_217, %sign3A_229 : i32
    %sign3A_231 = arith.extui %sign3A_230 : i1 to i32
    %sign3A_232 = arith.subi %sign3A_228, %sign3A_231 : i32
    %ne3A_233 = arith.cmpi ne, %sign3A_225, %sign3A_232 : i32
    %rem3A_234 = arith.remsi %sub3A_152, %jit3A_217 : i32
    %ne3A_235 = arith.constant 0 : i32
    %ne3A_236 = arith.cmpi ne, %rem3A_234, %ne3A_235 : i32
    %and3A_237 = arith.andi %ne3A_233, %ne3A_236 : i1
    %sub3A_238 = arith.constant 1 : i32
    %sub3A_239 = arith.subi %div3A_218, %sub3A_238 : i32
    %select_n3A_240 = arith.select %and3A_237, %sub3A_239, %div3A_218 : i32
    %mul3A_241 = arith.constant 32 : i32
    %mul3A_242 = arith.muli %select_n3A_240, %mul3A_241 : i32
    %sub3A_243 = arith.subi %sub3A_152, %mul3A_242 : i32
    %jit3A_244 = arith.constant 4 : i32
    %div3A_245 = arith.divsi %sub3A_243, %jit3A_244 : i32
    %sign3A_246 = arith.constant 0 : i32
    %sign3A_247 = arith.cmpi sgt, %sub3A_243, %sign3A_246 : i32
    %sign3A_248 = arith.extui %sign3A_247 : i1 to i32
    %sign3A_249 = arith.constant 0 : i32
    %sign3A_250 = arith.cmpi slt, %sub3A_243, %sign3A_249 : i32
    %sign3A_251 = arith.extui %sign3A_250 : i1 to i32
    %sign3A_252 = arith.subi %sign3A_248, %sign3A_251 : i32
    %sign3A_253 = arith.constant 0 : i32
    %sign3A_254 = arith.cmpi sgt, %jit3A_244, %sign3A_253 : i32
    %sign3A_255 = arith.extui %sign3A_254 : i1 to i32
    %sign3A_256 = arith.constant 0 : i32
    %sign3A_257 = arith.cmpi slt, %jit3A_244, %sign3A_256 : i32
    %sign3A_258 = arith.extui %sign3A_257 : i1 to i32
    %sign3A_259 = arith.subi %sign3A_255, %sign3A_258 : i32
    %ne3A_260 = arith.cmpi ne, %sign3A_252, %sign3A_259 : i32
    %rem3A_261 = arith.remsi %sub3A_243, %jit3A_244 : i32
    %ne3A_262 = arith.constant 0 : i32
    %ne3A_263 = arith.cmpi ne, %rem3A_261, %ne3A_262 : i32
    %and3A_264 = arith.andi %ne3A_260, %ne3A_263 : i1
    %sub3A_265 = arith.constant 1 : i32
    %sub3A_266 = arith.subi %div3A_245, %sub3A_265 : i32
    %select_n3A_267 = arith.select %and3A_264, %sub3A_266, %div3A_245 : i32
    %mul3A_268 = arith.constant 4 : i32
    %mul3A_269 = arith.muli %select_n3A_267, %mul3A_268 : i32
    %sub3A_270 = arith.subi %sub3A_243, %mul3A_269 : i32
    %mul3A_271 = arith.constant 1000 : i32
    %mul3A_272 = arith.muli %sub3A_270, %mul3A_271 : i32
    %dma_wait3A_273 = arith.constant 0 : i32
    %dma_wait3A_274 = tpu.memref_slice %arg6[%select_n3A_240, %mul3A_272, %select_n3A_267, %dma_wait3A_273] : memref<10x4000x8x16xf32, #tpu.memory_space<hbm>> -> memref<1x1000x1x16xf32, #tpu.memory_space<hbm>>
    %dma_wait3A_275 = tpu.memref_squeeze %dma_wait3A_274 : memref<1x1000x1x16xf32, #tpu.memory_space<hbm>> -> memref<1000x16xf32, #tpu.memory_space<hbm>>
    %dma_wait3A_276 = arith.constant 0 : i32
    %dma_wait3A_277 = tpu.memref_slice %arg6[%select_n3A_240, %mul3A_272, %select_n3A_267, %dma_wait3A_276] : memref<10x4000x8x16xf32, #tpu.memory_space<hbm>> -> memref<1x1000x1x16xf32, #tpu.memory_space<hbm>>
    %dma_wait3A_278 = tpu.memref_squeeze %dma_wait3A_277 : memref<1x1000x1x16xf32, #tpu.memory_space<hbm>> -> memref<1000x16xf32, #tpu.memory_space<hbm>>
    tpu.wait_dma2 semaphore(%arg18 : memref<!tpu.dma_semaphore, #tpu.memory_space<semaphore_mem>>) src(%arg12 : memref<1000x16xf32, #tpu.memory_space<vmem>>) dst(%dma_wait3A_278 : memref<1000x16xf32, #tpu.memory_space<hbm>>)
    return
  }
}

module attributes {stable_mosaic.version = 14 : i64} {
  func.func @_proj_body(%arg0: memref<10000x128xf32, #tpu.memory_space<vmem>>, %arg1: memref<128x16xf32, #tpu.memory_space<vmem>>, %arg2: memref<128x16xf32, #tpu.memory_space<vmem>>, %arg3: memref<2x320000xi32, #tpu.memory_space<vmem>>, %arg4: memref<10000x16xf32, #tpu.memory_space<vmem>>, %arg5: memref<10000x16xf32, #tpu.memory_space<vmem>>, %arg6: memref<320000xi32, #tpu.memory_space<vmem>>, %arg7: memref<320000xi32, #tpu.memory_space<vmem>>) attributes {dimension_semantics = [], scalar_prefetch = 0 : i64, scratch_operands = 0 : i64, tpu.core_type = #tpu.core_type<tc>} {
    %get3A = arith.constant 0 : index
    %get3A_0 = arith.constant 0 : index
    %get3A_1 = vector.load %arg0[%get3A, %get3A_0] : memref<10000x128xf32, #tpu.memory_space<vmem>>, vector<10000x128xf32>
    %get3A_2 = arith.constant 0 : index
    %get3A_3 = arith.constant 0 : index
    %get3A_4 = vector.load %arg1[%get3A_2, %get3A_3] : memref<128x16xf32, #tpu.memory_space<vmem>>, vector<128x16xf32>
    %dot_general3A = arith.constant dense<0.000000e+00> : vector<10000x16xf32>
    %dot_general3A_5 = tpu.matmul %get3A_1, %get3A_4, %dot_general3A {dimension_numbers = #tpu.dot_dimension_numbers<[1], [0], [0], [1], [0, 0, 1, 1], [], []>, transpose_lhs_hint = false} : vector<10000x128xf32>, vector<128x16xf32>, vector<10000x16xf32> -> vector<10000x16xf32>
    %swap3A = arith.constant 0 : index
    %swap3A_6 = arith.constant 0 : index
    %swap3A_7 = vector.load %arg4[%swap3A, %swap3A_6] : memref<10000x16xf32, #tpu.memory_space<vmem>>, vector<10000x16xf32>
    tpu.vector_store %arg4[%swap3A, %swap3A_6], %dot_general3A_5 {strides = array<i32>} : memref<10000x16xf32, #tpu.memory_space<vmem>>, vector<10000x16xf32>,
    %get3A_8 = arith.constant 0 : index
    %get3A_9 = arith.constant 0 : index
    %get3A_10 = vector.load %arg2[%get3A_8, %get3A_9] : memref<128x16xf32, #tpu.memory_space<vmem>>, vector<128x16xf32>
    %dot_general3A_11 = arith.constant dense<0.000000e+00> : vector<10000x16xf32>
    %dot_general3A_12 = tpu.matmul %get3A_1, %get3A_10, %dot_general3A_11 {dimension_numbers = #tpu.dot_dimension_numbers<[1], [0], [0], [1], [0, 0, 1, 1], [], []>, transpose_lhs_hint = false} : vector<10000x128xf32>, vector<128x16xf32>, vector<10000x16xf32> -> vector<10000x16xf32>
    %swap3A_13 = arith.constant 0 : index
    %swap3A_14 = arith.constant 0 : index
    %swap3A_15 = vector.load %arg5[%swap3A_13, %swap3A_14] : memref<10000x16xf32, #tpu.memory_space<vmem>>, vector<10000x16xf32>
    tpu.vector_store %arg5[%swap3A_13, %swap3A_14], %dot_general3A_12 {strides = array<i32>} : memref<10000x16xf32, #tpu.memory_space<vmem>>, vector<10000x16xf32>,
    %get3A_16 = arith.constant 0 : index
    %get3A_17 = arith.constant 0 : index
    %get3A_18 = vector.load %arg3[%get3A_16, %get3A_17] : memref<2x320000xi32, #tpu.memory_space<vmem>>, vector<2x320000xi32>
    %slice3A = vector.extract_strided_slice %get3A_18 {offsets = [0, 0], sizes = [1, 320000], strides = [1, 1]} : vector<2x320000xi32> to vector<1x320000xi32>
    %squeeze3A = vector.shape_cast %slice3A : vector<1x320000xi32> to vector<320000xi32>
    %swap3A_19 = arith.constant 0 : index
    %swap3A_20 = vector.load %arg6[%swap3A_19] : memref<320000xi32, #tpu.memory_space<vmem>>, vector<320000xi32>
    tpu.vector_store %arg6[%swap3A_19], %squeeze3A {strides = array<i32>} : memref<320000xi32, #tpu.memory_space<vmem>>, vector<320000xi32>,
    %slice3A_21 = vector.extract_strided_slice %get3A_18 {offsets = [1, 0], sizes = [1, 320000], strides = [1, 1]} : vector<2x320000xi32> to vector<1x320000xi32>
    %squeeze3A_22 = vector.shape_cast %slice3A_21 : vector<1x320000xi32> to vector<320000xi32>
    %swap3A_23 = arith.constant 0 : index
    %swap3A_24 = vector.load %arg7[%swap3A_23] : memref<320000xi32, #tpu.memory_space<vmem>>, vector<320000xi32>
    tpu.vector_store %arg7[%swap3A_23], %squeeze3A_22 {strides = array<i32>} : memref<320000xi32, #tpu.memory_space<vmem>>, vector<320000xi32>,
    return
  }
}

module attributes {stable_mosaic.version = 14 : i64} {
  func.func @_edge_body(%arg0: i32, %arg1: memref<4000x128xf32, #tpu.memory_space<vmem>>, %arg2: memref<16x32000xf32, #tpu.memory_space<vmem>>, %arg3: memref<16x16xf32, #tpu.memory_space<vmem>>, %arg4: memref<16x128xf32, #tpu.memory_space<vmem>>, %arg5: memref<16x16xf32, #tpu.memory_space<vmem>>, %arg6: memref<16x128xf32, #tpu.memory_space<vmem>>, %arg7: memref<16x32000xf32, #tpu.memory_space<vmem>>) attributes {dimension_semantics = [#tpu.dimension_semantics<arbitrary>], iteration_bounds = array<i64: 10>, scalar_prefetch = 0 : i64, scratch_operands = 0 : i64, tpu.core_type = #tpu.core_type<tc>, window_params = [{transform_indices = @transform_0, window_bounds = array<i64: 4000, 128>}, {transform_indices = @transform_1, window_bounds = array<i64: 16, 32000>}, {pipeline_mode = #tpu.pipeline_mode<synchronous>, transform_indices = @transform_2, window_bounds = array<i64: 16, 16>}, {pipeline_mode = #tpu.pipeline_mode<synchronous>, transform_indices = @transform_3, window_bounds = array<i64: 16, 128>}, {pipeline_mode = #tpu.pipeline_mode<synchronous>, transform_indices = @transform_4, window_bounds = array<i64: 16, 16>}, {pipeline_mode = #tpu.pipeline_mode<synchronous>, transform_indices = @transform_5, window_bounds = array<i64: 16, 128>}, {transform_indices = @transform_6, window_bounds = array<i64: 16, 32000>}]} {
    %get3A = arith.constant 0 : index
    %get3A_0 = arith.constant 0 : index
    %get3A_1 = vector.load %arg1[%get3A, %get3A_0] : memref<4000x128xf32, #tpu.memory_space<vmem>>, vector<4000x128xf32>
    %transpose3A = tpu.transpose %get3A_1, [1, 0] : vector<4000x128xf32> -> vector<128x4000xf32>
    %slice3A = vector.extract_strided_slice %transpose3A {offsets = [0, 0], sizes = [16, 4000], strides = [1, 1]} : vector<128x4000xf32> to vector<16x4000xf32>
    %slice3A_2 = vector.extract_strided_slice %transpose3A {offsets = [16, 0], sizes = [16, 4000], strides = [1, 1]} : vector<128x4000xf32> to vector<16x4000xf32>
    %slice3A_3 = vector.extract_strided_slice %transpose3A {offsets = [32, 0], sizes = [16, 4000], strides = [1, 1]} : vector<128x4000xf32> to vector<16x4000xf32>
    %slice3A_4 = vector.extract_strided_slice %transpose3A {offsets = [48, 0], sizes = [16, 4000], strides = [1, 1]} : vector<128x4000xf32> to vector<16x4000xf32>
    %slice3A_5 = vector.extract_strided_slice %transpose3A {offsets = [64, 0], sizes = [16, 4000], strides = [1, 1]} : vector<128x4000xf32> to vector<16x4000xf32>
    %slice3A_6 = vector.extract_strided_slice %transpose3A {offsets = [80, 0], sizes = [16, 4000], strides = [1, 1]} : vector<128x4000xf32> to vector<16x4000xf32>
    %slice3A_7 = vector.extract_strided_slice %transpose3A {offsets = [96, 0], sizes = [16, 4000], strides = [1, 1]} : vector<128x4000xf32> to vector<16x4000xf32>
    %slice3A_8 = vector.extract_strided_slice %transpose3A {offsets = [112, 0], sizes = [16, 4000], strides = [1, 1]} : vector<128x4000xf32> to vector<16x4000xf32>
    %concatenate3A = tpu.concatenate %slice3A, %slice3A_2, %slice3A_3, %slice3A_4, %slice3A_5, %slice3A_6, %slice3A_7, %slice3A_8 in 1 : vector<16x4000xf32>, vector<16x4000xf32>, vector<16x4000xf32>, vector<16x4000xf32>, vector<16x4000xf32>, vector<16x4000xf32>, vector<16x4000xf32>, vector<16x4000xf32> -> vector<16x32000xf32>
    %get3A_9 = arith.constant 0 : index
    %get3A_10 = arith.constant 0 : index
    %get3A_11 = vector.load %arg3[%get3A_9, %get3A_10] : memref<16x16xf32, #tpu.memory_space<vmem>>, vector<16x16xf32>
    %get3A_12 = arith.constant 0 : index
    %get3A_13 = arith.constant 0 : index
    %get3A_14 = vector.load %arg2[%get3A_12, %get3A_13] : memref<16x32000xf32, #tpu.memory_space<vmem>>, vector<16x32000xf32>
    %dot_general3A = arith.constant dense<0.000000e+00> : vector<16x32000xf32>
    %dot_general3A_15 = tpu.matmul %get3A_11, %get3A_14, %dot_general3A {dimension_numbers = #tpu.dot_dimension_numbers<[0], [0], [1], [1], [0, 1, 1, 1], [], []>, transpose_lhs_hint = false} : vector<16x16xf32>, vector<16x32000xf32>, vector<16x32000xf32> -> vector<16x32000xf32>
    %add3A = arith.addf %concatenate3A, %dot_general3A_15 : vector<16x32000xf32>
    %get3A_16 = arith.constant 0 : index
    %get3A_17 = arith.constant 0 : index
    %get3A_18 = vector.load %arg4[%get3A_16, %get3A_17] : memref<16x128xf32, #tpu.memory_space<vmem>>, vector<16x128xf32>
    %slice3A_19 = vector.extract_strided_slice %get3A_18 {offsets = [0, 0], sizes = [16, 1], strides = [1, 1]} : vector<16x128xf32> to vector<16x1xf32>
    %add3A_20 = vector.broadcast %slice3A_19 : vector<16x1xf32> to vector<16x32000xf32>
    %add3A_21 = arith.addf %add3A, %add3A_20 : vector<16x32000xf32>
    %ge3A = arith.constant 0.000000e+00 : f32
    %ge3A_22 = vector.broadcast %ge3A : f32 to vector<16x32000xf32>
    %ge3A_23 = arith.cmpf oge, %add3A_21, %ge3A_22 : vector<16x32000xf32>
    %mul3A = arith.constant 2.000000e-01 : f32
    %mul3A_24 = vector.broadcast %mul3A : f32 to vector<16x32000xf32>
    %mul3A_25 = arith.mulf %mul3A_24, %add3A_21 : vector<16x32000xf32>
    %select_n3A = arith.select %ge3A_23, %add3A_21, %mul3A_25 : vector<16x32000xi1>, vector<16x32000xf32>
    %get3A_26 = arith.constant 0 : index
    %get3A_27 = arith.constant 0 : index
    %get3A_28 = vector.load %arg5[%get3A_26, %get3A_27] : memref<16x16xf32, #tpu.memory_space<vmem>>, vector<16x16xf32>
    %dot_general3A_29 = arith.constant dense<0.000000e+00> : vector<16x32000xf32>
    %dot_general3A_30 = tpu.matmul %get3A_28, %select_n3A, %dot_general3A_29 {dimension_numbers = #tpu.dot_dimension_numbers<[0], [0], [1], [1], [0, 1, 1, 1], [], []>, transpose_lhs_hint = false} : vector<16x16xf32>, vector<16x32000xf32>, vector<16x32000xf32> -> vector<16x32000xf32>
    %get3A_31 = arith.constant 0 : index
    %get3A_32 = arith.constant 0 : index
    %get3A_33 = vector.load %arg6[%get3A_31, %get3A_32] : memref<16x128xf32, #tpu.memory_space<vmem>>, vector<16x128xf32>
    %slice3A_34 = vector.extract_strided_slice %get3A_33 {offsets = [0, 0], sizes = [16, 1], strides = [1, 1]} : vector<16x128xf32> to vector<16x1xf32>
    %add3A_35 = vector.broadcast %slice3A_34 : vector<16x1xf32> to vector<16x32000xf32>
    %add3A_36 = arith.addf %dot_general3A_30, %add3A_35 : vector<16x32000xf32>
    %swap3A = arith.constant 0 : index
    %swap3A_37 = arith.constant 0 : index
    %swap3A_38 = vector.load %arg7[%swap3A, %swap3A_37] : memref<16x32000xf32, #tpu.memory_space<vmem>>, vector<16x32000xf32>
    tpu.vector_store %arg7[%swap3A, %swap3A_37], %add3A_36 {strides = array<i32>} : memref<16x32000xf32, #tpu.memory_space<vmem>>, vector<16x32000xf32>,
    return
  }
  func.func @transform_0(%arg0: i32) -> (i32, i32) {
    %c0_i32 = arith.constant 0 : i32
    %c0_i32_0 = arith.constant 0 : i32
    return %arg0, %c0_i32 : i32, i32
  }
  func.func @transform_1(%arg0: i32) -> (i32, i32) {
    %c0_i32 = arith.constant 0 : i32
    %c0_i32_0 = arith.constant 0 : i32
    return %c0_i32, %arg0 : i32, i32
  }
  func.func @transform_2(%arg0: i32) -> (i32, i32) {
    %c0_i32 = arith.constant 0 : i32
    %c0_i32_0 = arith.constant 0 : i32
    %c0_i32_1 = arith.constant 0 : i32
    return %c0_i32, %c0_i32_0 : i32, i32
  }
  func.func @transform_3(%arg0: i32) -> (i32, i32) {
    %c0_i32 = arith.constant 0 : i32
    %c0_i32_0 = arith.constant 0 : i32
    %c0_i32_1 = arith.constant 0 : i32
    return %c0_i32, %c0_i32_0 : i32, i32
  }
  func.func @transform_4(%arg0: i32) -> (i32, i32) {
    %c0_i32 = arith.constant 0 : i32
    %c0_i32_0 = arith.constant 0 : i32
    %c0_i32_1 = arith.constant 0 : i32
    return %c0_i32, %c0_i32_0 : i32, i32
  }
  func.func @transform_5(%arg0: i32) -> (i32, i32) {
    %c0_i32 = arith.constant 0 : i32
    %c0_i32_0 = arith.constant 0 : i32
    %c0_i32_1 = arith.constant 0 : i32
    return %c0_i32, %c0_i32_0 : i32, i32
  }
  func.func @transform_6(%arg0: i32) -> (i32, i32) {
    %c0_i32 = arith.constant 0 : i32
    %c0_i32_0 = arith.constant 0 : i32
    return %c0_i32, %arg0 : i32, i32
  }
}

</mosaic_0001>

<sc_bundles>
// kernel: kernel.5.cloned.1.call-start
scs
__scs_entry_jumppad:
0x0: {  	(pc) =	sbr.rel $0x88, $3  }
0x1: {  	(tag) =	ssettag $0x0;
	lr =	simm.s32 $0x1  }
0x2: {  	[smem:$0x3F9A] =	sst lr;
	_ =	strace $0xD0000000  }
0x3: {  	_ = 	snop  }
0x4: {  	_ = 	snop  }
0x5: {  	_ = 	snop  }
0x6: {  	_ = 	snop  }
0x7: {  	_ = 	snop  }
__scs_overlays_trampoline_lowered:
0x8: {  	[smem:$0x3FA9] =	sst s0  }
0x9: {  	[smem:$0x3FAA] =	sst s1  }
0xa: {  	[smem:$0x3FAB] =	sst s2  }
0xb: {  	[smem:$0x3FAC] =	sst s3  }
0xc: {  	[smem:$0x3FAD] =	sst s4  }
0xd: {  	[smem:$0x3FAE] =	sst s5  }
0xe: {  	[smem:$0x3FAF] =	sst s6  }
0xf: {  	[smem:$0x3FB0] =	sst s7  }
0x10: {  	[smem:$0x3FB1] =	sst s8  }
0x11: {  	[smem:$0x3FB2] =	sst s9;
	s0 =	simm.s32 @!p0 $0x0  }
0x12: {  	s1 =	sld [smem:$0x3F98];
	s0 =	simm.s32 @p0 $0x1  }
0x13: {  	[smem:$0x3FB3] =	sst s0;
	s0 =	simm.s32 @!p1 $0x0  }
0x14: {  	s2 =	sld [smem:$0x3F97];
	s0 =	simm.s32 @p1 $0x1  }
0x15: {  	[smem:$0x3FB4] =	sst s0;
	s0 =	simm.s32 @!p2 $0x0  }
0x16: {  	s3 =	sld [smem:$0x3FDB];
	s0 =	simm.s32 @p2 $0x1  }
0x17: {  	s4 =	simm.s32 $0x1BF5;
	[smem:$0x3FB6] =	sst s0  }
0x18: {  	s0 =	sld [smem:$0x3F99];
	_ =	swait.ge [sflag:s4], $0x0  }
0x19: {  	s7 =	sld [smem:$0x3F9A]  }
0x1a: {  	s8 =	sadd.s32 $0xFFFFE003, lr  }
0x1b: {  	s9 =	sadd.s32 $0xFFFFFEF7, lr;
	s5 =	simm.s32 $0xFFFFFFFF;
	p2 =	slt.u32 s8, $0xFFFFF086  }
0x1c: {  	p1 =	slt.u32 s9, $0xF7A;
	s5 =	simm.s32 @!p2 $0x0  }
0x1d: {  	s5 =	simm.s32 @p1 $0x1;
	p0 =	seq.s32 s7, s2  }
0x1e: {  	s7 =	smul.u32 @!p0 $0xF7A, s2;
	p2 =	seq.s32 @!p0 s5, $0x0  }
0x1f: {  	s9 =	smul.u32 $0xF7A, s1;
	s8 =	simm.s32 @!p0 $0x1BF5;
	p2 =	por !p2, p0  }
0x20: {  	[sflag:s8] =	ssyncset.s32 @!p0 $0xFFFFF086;
	s6 =	sadd.s32 @!p0 s3, s7;
	s7 =	simm.s32 @!p0 $0x108  }
0x21: {  	s3 =	sadd.s32 s3, s9;
	s6 =	sadd.s32 @!p0 $0x88, s6;
	s7 =	simm.s32 @p2 $0x1082  }
0x22: {  	[simem:s7], [sflag:s8] =	dma.local @!p0 [hbm:s6], $0xF7A  }
0x23: {  	s9 =	sor.u32 $0xD0000000, s2;
	s6 =	simm.s32 $0x108;
	_ =	swait.ge @!p0 [sflag:s8], $0x0  }
0x24: {  	s3 =	sadd.s32 $0x88, s3;
	s6 =	simm.s32 @!p1 $0x1082;
	[sflag:s4] =	ssyncset.s32 $0xFFFFF086  }
0x25: {  	[simem:s6], [sflag:s4] =	dma.local [hbm:s3], $0xF7A  }
0x26: {  	[smem:$0x3F9A] =	sst s1;
	(tag) =	ssettag s2;
	_ =	strace s9  }
0x27: {  	s1 =	sld [smem:$0x3FAA]  }
0x28: {  	s2 =	sld [smem:$0x3FAB]  }
0x29: {  	s4 =	sld [smem:$0x3FAD]  }
0x2a: {  	p0 =	seq.s32 s5, $0x0;
	s5 =	sld [smem:$0x3FAE]  }
0x2b: {  	s6 =	sld [smem:$0x3FAF]  }
0x2c: {  	s7 =	sld [smem:$0x3FB0]  }
0x2d: {  	s3 =	simm.s32 $0x108;
	s8 =	sld [smem:$0x3FB1]  }
0x2e: {  	s3 =	simm.s32 @!p0 $0x1082;
	s9 =	sld [smem:$0x3FB2]  }
0x2f: {  	lr =	sadd.s32 s0, s3;
	s0 =	sld [smem:$0x3FA9]  }
0x30: {  	s3 =	sld [smem:$0x3FAC]  }
0x31: {  	[smem:$0x3FB5] =	sst s10  }
0x32: {  	s10 =	sld [smem:$0x3FB3];
	_ =	sdelay $0x3  }
0x33: {  	p0 =	seq.s32 s10, $0x1;
	s10 =	sld [smem:$0x3FB5];
	_ =	sdelay $0x3  }
0x34: {  	[smem:$0x3FB5] =	sst s10  }
0x35: {  	s10 =	sld [smem:$0x3FB4];
	_ =	sdelay $0x3  }
0x36: {  	p1 =	seq.s32 s10, $0x1;
	s10 =	sld [smem:$0x3FB5];
	_ =	sdelay $0x3  }
0x37: {  	[smem:$0x3FB5] =	sst s10  }
0x38: {  	s10 =	sld [smem:$0x3FB6]  }
0x39: {  	_ = 	snop;
	(pc) =	sbr.ind lr, $3  }
0x3a: {  	_ = 	snop  }
0x3b: {  	_ = 	snop  }
0x3c: {  	p2 =	seq.s32 s10, $0x1;
	s10 =	sld [smem:$0x3FB5]  }
0x3d: {  	_ =	shalt  }
0x3e: {  	_ =	shalt  }
0x3f: {  	_ =	shalt  }
0x40: {  	_ =	shalt  }
0x41: {  	_ =	shalt  }
0x42: {  	_ =	shalt  }
0x43: {  	_ =	shalt  }
0x44: {  	_ =	shalt  }
0x45: {  	_ =	shalt  }
0x46: {  	_ =	shalt  }
0x47: {  	_ =	shalt  }
0x48: {  	_ =	shalt  }
0x49: {  	_ =	shalt  }
0x4a: {  	_ =	shalt  }
0x4b: {  	_ =	shalt  }
0x4c: {  	_ =	shalt  }
0x4d: {  	_ =	shalt  }
0x4e: {  	_ =	shalt  }
0x4f: {  	_ =	shalt  }
0x50: {  	_ =	shalt  }
0x51: {  	_ =	shalt  }
0x52: {  	_ =	shalt  }
0x53: {  	_ =	shalt  }
0x54: {  	_ =	shalt  }
0x55: {  	_ =	shalt  }
0x56: {  	_ =	shalt  }
0x57: {  	_ =	shalt  }
0x58: {  	_ =	shalt  }
0x59: {  	_ =	shalt  }
0x5a: {  	_ =	shalt  }
0x5b: {  	_ =	shalt  }
0x5c: {  	_ =	shalt  }
0x5d: {  	_ =	shalt  }
0x5e: {  	_ =	shalt  }
0x5f: {  	_ =	shalt  }
0x60: {  	_ =	shalt  }
0x61: {  	_ =	shalt  }
0x62: {  	_ =	shalt  }
0x63: {  	_ =	shalt  }
0x64: {  	_ =	shalt  }
0x65: {  	_ =	shalt  }
0x66: {  	_ =	shalt  }
0x67: {  	_ =	shalt  }
0x68: {  	_ =	shalt  }
0x69: {  	_ =	shalt  }
0x6a: {  	_ =	shalt  }
0x6b: {  	_ =	shalt  }
0x6c: {  	_ =	shalt  }
0x6d: {  	_ =	shalt  }
0x6e: {  	_ =	shalt  }
0x6f: {  	_ =	shalt  }
0x70: {  	_ =	shalt  }
0x71: {  	_ =	shalt  }
0x72: {  	_ =	shalt  }
0x73: {  	_ =	shalt  }
0x74: {  	_ =	shalt  }
0x75: {  	_ =	shalt  }
0x76: {  	_ =	shalt  }
0x77: {  	_ =	shalt  }
0x78: {  	_ =	shalt  }
0x79: {  	_ =	shalt  }
0x7a: {  	_ =	shalt  }
0x7b: {  	_ =	shalt  }
0x7c: {  	_ =	shalt  }
0x7d: {  	_ =	shalt  }
0x7e: {  	_ =	shalt  }
0x7f: {  	_ =	shalt  }
0x80: {  	_ =	shalt  }
0x81: {  	_ =	shalt  }
0x82: {  	_ =	shalt  }
0x83: {  	_ =	shalt  }
0x84: {  	_ =	shalt  }
0x85: {  	_ =	shalt  }
0x86: {  	_ =	shalt  }
0x87: {  	_ =	shalt  }
.Lfunc_end0:
.L_simem_size_0:
called_computation_lowered:
.L_overlay_start_0:
0x88: {  	s2 =	sld [smem:$0x3FD9]  }
0x89: {  	s3 =	sld [smem:$0x3FFE];
	_ =	sdelay $0x1  }
0x8a: {  	s1 =	srdreg.scid  }
0x8b: {  	s0 =	sand.u32 $0x1, s1  }
0x8c: {  	s17 =	sshll.u32 s0, $0xA;
	s2 =	sadd.s32 s3, s2  }
0x8d: {  	s2 =	sadd.s32 s2, s17  }
0x8e: {  	[smem:$0x3FC1] =	sst s2  }
0x8f: {  	_ = 	snop  }
0x90: {  	s2 =	sld [smem:$0x3FD0];
	(tm) =	ssettm $0x1  }
0x91: {  	s18 =	sld [smem:$0x3FFB];
	_ =	sdelay $0x3  }
0x92: {  	_ =	strace s18  }
0x93: {  	s3 =	sld [smem:$0x3FFC];
	_ =	sdelay $0x3  }
0x94: {  	_ =	strace s3  }
0x95: {  	s3 =	sld [smem:$0x3FFD];
	_ =	sdelay $0x3  }
0x96: {  	_ =	strace s3  }
0x97: {  	_ =	strace $0x8FFFFFFF  }
0x98: {  	s19 =	sld [smem:$0x3FDB];
	_ =	sdelay $0x1  }
0x99: {  	s4 =	simm.s32 $_scs_section_size  }
0x9a: {  	s5 =	simm.s32 $_size__tile_overlayer_lowered;
	s6 =	simm.s32 $_tile_overlayer_lowered  }
0x9b: {  	s22 =	simm.s32 $0x1BFF;
	s21 =	sshll.u32 s6, $0x1;
	s3 =	sadd.s32 s4, s19  }
0x9c: {  	s7 =	simm.s32 $0x0;
	s20 =	sshll.u32 s5, $0x1;
	s5 =	sadd.s32 s21, s3  }
0x9d: {  	[timem:s7], [sflag:s22] =	dma.local [hbm:s5], s20  }
0x9e: {  	_ =	swait.ge [sflag:s22], s20  }
0x9f: {  	s4 =	ssub.s32 $0x0, s20;
	[sflag:s22] =	ssyncset.done $0x0  }
0xa0: {  	[sflag:s22] =	ssyncadd.s32 s4;
	_ =	sdelay $0x1  }
0xa1: {  	s23 =	simm.s32 $0x1B8B  }
0xa2: {  	_ =	swait.ge [sflag:s23], $0x1  }
0xa3: {  	[sflag:s23] =	ssyncset.done $0x0  }
0xa4: {  	s25 =	simm.s32 $0x1B8E;
	s24 =	sld [smem:$0x3FFE];
	[sflag:s23] =	ssyncadd.s32 $0xFFFFFFFF  }
0xa5: {  	s26 =	simm.s32 $execute0_lowered;
	[smem:$0x3FD2] =	sst s25  }
0xa6: {  	s5 =	sshll.u32 s26, $0x1;
	_ =	strace $0x80000046;
	[dreg:$0x1] =	wrdreg $0xFFFFFFFF  }
0xa7: {  	s28 =	simm.s32 $_size_execute0_lowered;
	s3 =	sadd.s32 s3, s5;
	[dreg:$0x0] =	wrdreg $0x0  }
0xa8: {  	s5 =	sshll.u32 s28, $0x1;
	[dreg:$0x2] =	wrdreg s3  }
0xa9: {  	[dreg:$0x3] =	wrdreg s5  }
0xaa: {  	[dreg:$0x4] =	wrdreg $0xC0  }
0xab: {  	_ =	task [dreg:s7], $0x5FFFF  }
0xac: {  	[dreg:$0x1] =	wrdreg $0xFFFFFFFF  }
0xad: {  	[dreg:$0x0] =	wrdreg $0x60  }
0xae: {  	[dreg:$0x2] =	wrdreg s24  }
0xaf: {  	[dreg:$0x3] =	wrdreg s2  }
0xb0: {  	[dreg:$0x4] =	wrdreg $0x9  }
0xb1: {  	_ =	task.clear_ibuf [dreg:s7], $0x5FFFF;
	_ =	strace $0x90000046  }
0xb2: {  	s29 =	simm.s32 $0x9;
	_ =	strace $0x80000048  }
0xb3: {  	_ =	swait.ge [sflag:s29], $0x1  }
0xb4: {  	[sflag:s29] =	ssyncadd.s32 $0xFFFFFFFF  }
0xb5: {  	_ =	strace $0x90000048  }
0xb6: {  	_ =	sfence  }
0xb7: {  	s30 =	sld [smem:$0x0];
	_ =	sdelay $0x2  }
0xb8: {  	s31 =	sshll.u32 s1, $0xD;
	s1 =	sshrl.u32 s1, $0x2  }
0xb9: {  	s3 =	sand.u32 $0x4000, s31;
	s1 =	sadd.s32 s1, s30  }
0xba: {  	s0 =	sor.u32 s3, s0;
	s1 =	sshll.u32 s1, $0x11  }
0xbb: {  	s0 =	sor.u32 s1, s0  }
0xbc: {  	s0 =	sadd.s32 $0x8F2B, s0  }
0xbd: {  	[sflag:s0] =	ssyncadd.remote.s32 $0x1  }
0xbe: {  	_ =	sfence.sel $0xFFFF  }
0xbf: {  	[dreg:$0x0] =	wrdreg $0xFFFFFFFF;
	(pc) =	sbr.abs _section_cstart, $3  }
0xc0: {  	[dreg:$0x1] =	wrdreg $0xFFFFFFFF  }
0xc1: {  	_ =	task.clear_ibuf [dreg:s7], $0x2FFFF;
	_ =	strace $0x9FFFFFFF  }
0xc2: {  	(tm) =	ssettm $0x7FFFFFFF  }
0xc3: {  	_ =	shalt  }
tec
execute0_lowered:
.L_overlay_start_1:
0x0: {  	(tag) =	ssettag $0x1  }
0x1: {  	s1 =	srdreg.scid;
	s8 =	rddreg [dreg:$0x0]  }
0x2: {  	s0 =	stileid.u32;
	s3 =	rddreg [dreg:$0x1]  }
0x3: {  	s4 =	simm.s32 $0x0;
	s16 =	simm.s32 $0xBB8;
	s17 =	simm.s32 $0x1  }
0x4: {  	s18 =	simm.s32 $0x3;
	s9 =	sand.u32 $0x1, s1;
	s21 =	sshll.u32 s0, $0x1  }
0x5: {  	s19 =	simm.s32 $0xFA0;
	s20 =	simm.s32 $0x4E20;
	s1 =	sor.u32 s9, s21  }
0x6: {  	s28 =	simm.s32 $0x0;
	[smem:$0x7FF] =	sst s4;
	s2 =	smul.u32 $0xA, s1  }
0x7: {  	_ =	strace $0x80000047;
	s9 =	ssub.s32 $0x2, s9;
	s21 =	simm.s32 $0x2  }
0x8: {  	s25 =	sshrl.u32 s9, $0x1;
	s5 =	sor.u32 $0x1, s2;
	s6 =	sand.u32 $0x1E0, s2  }
0x9: {  	s26 =	ssub.s32 s9, s25;
	s25 =	simm.s32 $0x5;
	s10 =	ssub.s32 s5, s6  }
0xa: {  	s7 =	sshrl.u32 s2, $0x5;
	s23 =	sshrl.u32 s2, $0x2;
	s5 =	sshrl.u32 s10, $0x1D  }
0xb: {  	s24 =	sand.u32 $0x2, s2;
	s11 =	smul.u32 $0x7D00, s7;
	s22 =	sand.u32 $0x3, s5  }
0xc: {  	s7 =	sand.u32 $0x7, s23;
	s14 =	smul.u32 $0x3E8, s24;
	s6 =	sadd.s32 s22, s10  }
0xd: {  	s23 =	simm.s32 $0x80;
	s24 =	simm.s32 $0x4;
	s6 =	sshll.u32 s6, $0x10  }
0xe: {  	s12 =	sshra.s32 s10, $0x1F;
	s13 =	smul.u32 $0xFA0, s7;
	s6 =	sshra.s32 s6, $0x12  }
0xf: {  	s7 =	sadd.s32 $0x1C00, s8;
	s14 =	sadd.s32 s11, s14;
	s12 =	sadd.s32 s6, s12  }
0x10: {  	s5 =	sadd.s32 $0x15800, s8;
	s13 =	sadd.s32 s13, s14;
	s15 =	sshll.u32 s12, $0x2  }
0x11: {  	s14 =	simm.s32 $0x3E8;
	s12 =	smul.u32 $0xFA0, s12;
	s10 =	ssub.s32 s10, s15  }
0x12: {  	s22 =	simm.s32 $0x10;
	s13 =	sshrl.u32 s13, $0x3;
	s10 =	smul.u32 $0x3E8, s10  }
.Ltmp0:
0x13: {  	s29 =	sadd.s32 s7, s13;
	s6 =	sadd.s32 $0x1A800, s8;
	(pc) =	sbr.rel .LBB2_1-.Ltmp0, $4  }
0x14: {  	s8 =	sadd.s32 $0xBA00, s8;
	[dreg:$0x3] =	wrdreg s29;
	s11 =	sadd.s32 s11, s12  }
0x15: {  	s31 =	sadd.s32 s8, s13;
	s13 =	smax.u32 s26, $0x1;
	s10 =	sadd.s32 s10, s11  }
0x16: {  	s26 =	simm.s32 $0x6;
	[dreg:$0x4] =	wrdreg s31;
	s30 =	sshrl.u32 s10, $0x3  }
0x17: {  	s15 =	simm.s32 $0x7D0;
	s11 =	sadd.s32 s7, s30;
	s12 =	sadd.s32 s8, s30  }
.LBB2_4:
0x18: {  	s28 =	sadd.s32 $0x1, s28  }
0x19: {  	_ =	swait.ge [sflag:s25], $0x3E80;
	p0 =	sne.s32 s28, s13  }
.Ltmp1:
0x1a: {  	[sflag:s25] =	ssyncset.done $0x0;
	(pc) =	sbr.rel @!p0 .LBB2_5-.Ltmp1, $4  }
0x1b: {  	[sflag:s25] =	ssyncadd.s32 $0xFFFFC180  }
0x1c: {  	_ =	swait.ge [sflag:s26], $0x3E80  }
0x1d: {  	[sflag:s26] =	ssyncset.done $0x0  }
0x1e: {  	[sflag:s26] =	ssyncadd.s32 $0xFFFFC180  }
.LBB2_1:
0x1f: {  	s0 =	rddreg [dreg:$0x3]  }
0x20: {  	[tilespmem:s4], [sflag:$0x1] =	stream.linear.gather [hbm4b:s0+s4], $0x3E8, $0x38;
	[tilespmem:$0x8CA0] =	vst v63  }
0x21: {  	s31 =	rddreg [dreg:$0x4]  }
0x22: {  	[tilespmem:s14], [sflag:$0x1] =	stream.linear.gather [hbm4b:s31+s4], $0x3E8, $0x38;
	[tilespmem:$0x8CA0] =	vst v63  }
0x23: {  	_ = 	snop  }
0x24: {  	[tilespmem:s15], [sflag:$0x3] =	stream.linear.gather [hbm4b:s11+s4], $0x3E8, $0x38;
	[tilespmem:$0x8CA0] =	vst v63  }
0x25: {  	_ = 	snop  }
0x26: {  	[tilespmem:s16], [sflag:$0x3] =	stream.linear.gather [hbm4b:s12+s4], $0x3E8, $0x38;
	[tilespmem:$0x8CA0] =	vst v63  }
0x27: {  	_ =	swait.ge [sflag:s17], $0x3E8  }
0x28: {  	[sflag:s17] =	ssyncset.done $0x0  }
0x29: {  	[sflag:s17] =	ssyncadd.s32 $0xFFFFFC18  }
0x2a: {  	_ =	swait.ge [sflag:s17], $0x3E8  }
0x2b: {  	[sflag:s17] =	ssyncset.done $0x0  }
0x2c: {  	[sflag:s17] =	ssyncadd.s32 $0xFFFFFC18  }
0x2d: {  	_ =	swait.ge [sflag:s18], $0x3E8  }
0x2e: {  	[sflag:s18] =	ssyncset.done $0x0  }
0x2f: {  	[sflag:s18] =	ssyncadd.s32 $0xFFFFFC18  }
0x30: {  	_ =	swait.ge [sflag:s18], $0x3E8  }
0x31: {  	[sflag:s18] =	ssyncset.done $0x0  }
0x32: {  	s29 =	simm.s32 $0x0;
	[sflag:s18] =	ssyncadd.s32 $0xFFFFFC18  }
.LBB2_2:
0x33: {  	p0 =	seq.s32 s29, $0x0  }
0x34: {  	s30 =	simm.s32 @!p0 $0x5  }
0x35: {  	_ =	swait.ge @!p0 [sflag:s30], $0x3E80  }
0x36: {  	[sflag:s30] =	ssyncset.done @!p0 $0x0  }
0x37: {  	[sflag:s30] =	ssyncadd.s32 @!p0 $0xFFFFC180;
	s30 =	simm.s32 @!p0 $0x6  }
0x38: {  	_ =	swait.ge @!p0 [sflag:s30], $0x3E80  }
0x39: {  	[sflag:s30] =	ssyncset.done @!p0 $0x0  }
0x3a: {  	[sflag:s30] =	ssyncadd.s32 @!p0 $0xFFFFC180  }
0x3b: {  	[tilespmem:s19], [sflag:$0x1] =	stream.indirect.gather [hbm4b:s5+s14], $0x10, s4, s14, $0xb8;
	[tilespmem:$0x8CA0] =	vst v63  }
0x3c: {  	s30 =	sshll.u32 s29, $0x1  }
0x3d: {  	[tilespmem:s20], [sflag:$0x3] =	stream.indirect.gather [hbm4b:s5+s14], $0x10, s15, s14, $0xb8;
	[tilespmem:$0x8CA0] =	vst v63  }
0x3e: {  	s30 =	sadd.s32 s2, s30;
	_ =	swait.ge [sflag:s17], $0x3E80  }
0x3f: {  	s31 =	sshrl.u32 s30, $0x5;
	[sflag:s17] =	ssyncset.done $0x0  }
0x40: {  	s1 =	smul.u32 $0x7D000, s31;
	s31 =	sand.u32 $0x2, s30;
	[sflag:s17] =	ssyncadd.s32 $0xFFFFC180  }
0x41: {  	[tilespmem:s19], [sflag:$0x2] =	stream.indirect.gather.add.f32 [hbm:s6], $0x10, s14, s14, $0xb8;
	[tilespmem:$0x8CA0] =	vst v63  }
0x42: {  	s0 =	smul.u32 $0x1F400, s31;
	_ =	swait.ge [sflag:s18], $0x3E80  }
0x43: {  	s9 =	sshll.u32 s30, $0x2;
	[sflag:s18] =	ssyncset.done $0x0  }
0x44: {  	s9 =	sand.u32 $0x70, s9;
	s0 =	sadd.s32 s0, s1;
	[sflag:s18] =	ssyncadd.s32 $0xFFFFC180  }
0x45: {  	[tilespmem:s20], [sflag:$0x4] =	stream.indirect.gather.add.f32 [hbm:s6], $0x10, s16, s14, $0xb8;
	[tilespmem:$0x8CA0] =	vst v63  }
0x46: {  	s0 =	sor.u32 s9, s0;
	_ =	swait.ge [sflag:s21], $0x3E80  }
0x47: {  	s10 =	sand.u32 $0x3E0, s30;
	s0 =	sshrl.u32 s0, $0x3;
	[sflag:s21] =	ssyncset.done $0x0  }
0x48: {  	s9 =	sor.u32 $0x1, s30;
	s0 =	sadd.s32 s3, s0;
	[sflag:s21] =	ssyncadd.s32 $0xFFFFC180  }
0x49: {  	[hbm4b:s0+s22] =	stream.strided.scatter [tilespmem:s19], [sflag:$0x5], $0x3E80, s23, s22, $0x38;
	[tilespmem:$0x8CA0] =	vst v63  }
0x4a: {  	s0 =	ssub.s32 s9, s10  }
0x4b: {  	s9 =	sshra.s32 s0, $0x1F  }
0x4c: {  	s10 =	sshrl.u32 s9, $0x1E  }
0x4d: {  	s10 =	sadd.s32 s10, s0  }
0x4e: {  	s10 =	sshra.s32 s10, $0x2  }
0x4f: {  	s9 =	sadd.s32 s9, s10  }
0x50: {  	s10 =	sshll.u32 s9, $0x2  }
0x51: {  	s0 =	ssub.s32 s0, s10  }
0x52: {  	p0 =	seq.s32 s29, $0x4;
	s9 =	sshll.u32 s9, $0x4;
	s0 =	smul.u32 $0x1F400, s0  }
.Ltmp2:
0x53: {  	s1 =	sadd.s32 s1, s9;
	(pc) =	sbr.rel @p0 .LBB2_4-.Ltmp2, $4  }
0x54: {  	_ =	swait.ge [sflag:s24], $0x3E80;
	s0 =	sadd.s32 s0, s1  }
0x55: {  	[sflag:s24] =	ssyncset.done $0x0;
	s0 =	sshrl.u32 s0, $0x3  }
0x56: {  	[sflag:s24] =	ssyncadd.s32 $0xFFFFC180;
	s0 =	sadd.s32 s3, s0  }
0x57: {  	[hbm4b:s0+s22] =	stream.strided.scatter [tilespmem:s20], [sflag:$0x6], $0x3E80, s23, s22, $0x38;
	[tilespmem:$0x8CA0] =	vst v63  }
0x58: {  	s0 =	sadd.s32 $0x2, s30  }
0x59: {  	s1 =	sand.u32 $0x1E, s0  }
0x5a: {  	s9 =	sor.u32 s31, s1  }
0x5b: {  	p0 =	seq.s32 s9, $0x0;
	s9 =	simm.s32 $0x1  }
0x5c: {  	s10 =	sshrl.u32 s1, $0x2;
	s9 =	simm.s32 @!p0 $0x0  }
0x5d: {  	s0 =	sshrl.u32 s0, $0x5;
	s9 =	ssub.s32 s10, s9  }
0x5e: {  	s0 =	smul.u32 $0x7D00, s0;
	s10 =	sshll.u32 s9, $0x2  }
0x5f: {  	s9 =	smul.u32 $0xFA0, s9;
	s1 =	ssub.s32 s1, s10  }
0x60: {  	s1 =	smul.u32 $0x3E8, s1  }
0x61: {  	s0 =	sadd.s32 s0, s9  }
0x62: {  	s0 =	sadd.s32 s1, s0  }
0x63: {  	s0 =	sshrl.u32 s0, $0x3  }
0x64: {  	s9 =	sadd.s32 $0x3, s30;
	s31 =	sadd.s32 s7, s0  }
0x65: {  	[tilespmem:s4], [sflag:$0x1] =	stream.linear.gather [hbm4b:s31+s4], $0x3E8, $0x38;
	[tilespmem:$0x8CA0] =	vst v63  }
0x66: {  	s10 =	sshrl.u32 s9, $0x5;
	s0 =	sadd.s32 s8, s0  }
0x67: {  	[tilespmem:s14], [sflag:$0x1] =	stream.linear.gather [hbm4b:s0+s4], $0x3E8, $0x38;
	[tilespmem:$0x8CA0] =	vst v63  }
0x68: {  	s30 =	sshrl.u32 s9, $0x2;
	s1 =	smul.u32 $0x7D00, s10;
	s0 =	sand.u32 $0x3, s9  }
0x69: {  	s9 =	sand.u32 $0x7, s30;
	s0 =	smul.u32 $0x3E8, s0  }
0x6a: {  	s9 =	smul.u32 $0xFA0, s9  }
0x6b: {  	s0 =	sadd.s32 s1, s0  }
0x6c: {  	s0 =	sadd.s32 s9, s0  }
0x6d: {  	s0 =	sshrl.u32 s0, $0x3  }
0x6e: {  	s31 =	sadd.s32 s7, s0  }
0x6f: {  	[tilespmem:s15], [sflag:$0x3] =	stream.linear.gather [hbm4b:s31+s4], $0x3E8, $0x38;
	[tilespmem:$0x8CA0] =	vst v63  }
0x70: {  	s0 =	sadd.s32 s8, s0  }
0x71: {  	[tilespmem:s16], [sflag:$0x3] =	stream.linear.gather [hbm4b:s0+s4], $0x3E8, $0x38;
	[tilespmem:$0x8CA0] =	vst v63  }
0x72: {  	_ =	swait.ge [sflag:s17], $0x3E8  }
0x73: {  	[sflag:s17] =	ssyncset.done $0x0  }
0x74: {  	[sflag:s17] =	ssyncadd.s32 $0xFFFFFC18  }
0x75: {  	_ =	swait.ge [sflag:s17], $0x3E8  }
0x76: {  	[sflag:s17] =	ssyncset.done $0x0  }
0x77: {  	[sflag:s17] =	ssyncadd.s32 $0xFFFFFC18  }
0x78: {  	_ =	swait.ge [sflag:s18], $0x3E8  }
.Ltmp3:
0x79: {  	[sflag:s18] =	ssyncset.done $0x0;
	(pc) =	sbr.rel .LBB2_2-.Ltmp3, $4  }
0x7a: {  	[sflag:s18] =	ssyncadd.s32 $0xFFFFFC18  }
0x7b: {  	_ =	swait.ge [sflag:s18], $0x3E8  }
0x7c: {  	[sflag:s18] =	ssyncset.done $0x0  }
0x7d: {  	s29 =	sadd.s32 $0x1, s29;
	[sflag:s18] =	ssyncadd.s32 $0xFFFFFC18  }
.LBB2_5:
0x7e: {  	_ =	sfence.sel $0x180000  }
0x7f: {  	[bflag:$0x0] =	sbarrier.arrive $0xFFFF  }
0x80: {  	_ =	strace $0x90000047  }
0x81: {  	s0 =	stileid.u32;
	[bflag:$0x2] =	sbarrier.arrive $0xFFFF  }
0x82: {  	p0 =	sne.s32 s0, $0x0;
	s0 =	rddreg [dreg:$0x2]  }
0x83: {  	s0 =	sadd.s32 @!p0 $0x100000, s0  }
0x84: {  	[sflag:s0] =	ssyncadd.tile.s32 @!p0 $0x1;
	_ =	shalt  }
.Lfunc_end2:
_tile_overlayer_lowered:
.L_overlay_start_2:
0x85: {  	(tag) =	ssettag $0x2  }
0x86: {  	s0 =	rddreg [dreg:$0x0];
	s2 =	stileid.u32  }
0x87: {  	s1 =	rddreg [dreg:$0x1];
	p0 =	sne.s32 s2, $0x0  }
0x88: {  	s3 =	rddreg [dreg:$0x2];
	[bflag:$0x3] =	sbarrier.arrive $0xFFFF;
	s2 =	simm.s32 @!p0 $0x1C07  }
0x89: {  	[timem:s3], [sflag:s2] =	dma.local @!p0 [hbm:s0], s1  }
0x8a: {  	s0 =	simm.s32 @!p0 $0x7  }
0x8b: {  	_ =	swait.ge @!p0 [sflag:s0], s1  }
0x8c: {  	s1 =	ssub.s32 @!p0 $0x0, s1;
	[sflag:s0] =	ssyncset.done @!p0 $0x0  }
0x8d: {  	[sflag:s0] =	ssyncadd.s32 @!p0 s1  }
0x8e: {  	[bflag:$0x3] =	sbarrier.arrive $0xFFFF  }
0x8f: {  	_ =	shalt  }

</sc_bundles>
